<compile_context>
chip_gen: v7x
topology: tpu7x:2x2x1
jax: 0.10.2.dev20260603
libtpu: 0.0.44.dev20260713+nightly
codegen_flags: <defaults>
</compile_context>

<pallas_src>
import jax
import jax.numpy as jnp
from jax import lax
from jax.experimental import pallas as pl
from jax.experimental.pallas import tpu as pltpu
from jax.experimental.pallas import tpu_sc as plsc

_NC = 2
_NS = 16


def _sc_probe_body(total, chunk, x_hbm, out_hbm, buf, sem):
    cid = lax.axis_index("c")
    sid = lax.axis_index("s")
    wid = sid * _NC + cid
    n_chunks = total // chunk
    per_tile = n_chunks // (_NC * _NS)
    pltpu.sync_copy(x_hbm.at[pl.ds(0, chunk)], buf)
    copies = []
    for k in range(per_tile):
        off = (wid * per_tile + k) * chunk
        copies.append(pltpu.async_copy(buf, out_hbm.at[pl.ds(off, chunk)], sem))
    for d in copies:
        d.wait()


def kernel(x, visable_index, conv_w, conv_b, raw_inputs):
    b, nvis, c = x.shape
    n_out = 1025
    total = b * n_out * c
    rows_per_chunk = 82
    chunk = rows_per_chunk * c
    probe = pl.kernel(
        lambda *refs: _sc_probe_body(total, chunk, *refs),
        out_type=jax.ShapeDtypeStruct((total,), jnp.float32),
        mesh=plsc.VectorSubcoreMesh(core_axis_name="c", subcore_axis_name="s"),
        scratch_types=[
            pltpu.VMEM((chunk,), jnp.float32),
            pltpu.SemaphoreType.DMA,
        ],
    )
    out_flat = probe(x.reshape(-1))
    return out_flat.reshape(b, n_out, c)

# --- scband reference (transcript-rebuilt; emitter-appended) ---
"""Pipeline reference for scband-un-mask-shuffle-23974507446386 (READ-ONLY COPY).

The authoritative reference and input builder live on the scoring server;
editing this copy changes nothing except your own understanding.
"""

import jax, jax.numpy as jnp
import numpy as np

IMG = 512
PATCH = 16
EMBED = 768
B = 64
NVIS = 257
IMAGENET_MEAN = np.array([0.485, 0.456, 0.406], dtype=np.float32)
IMAGENET_STD = np.array([0.229, 0.224, 0.225], dtype=np.float32)


def setup_inputs(seed: int = 0) -> dict:
    key = jax.random.key(seed)
    k1, k2, k3 = jax.random.split(key, 3)
    x = jax.random.normal(k1, (B, NVIS, EMBED), dtype=jnp.float32)
    visable_index = jnp.arange(NVIS, dtype=jnp.int32)
    conv_w = jax.random.normal(k2, (EMBED, 3, PATCH, PATCH), dtype=jnp.float32) * 0.02
    conv_b = jax.random.normal(k3, (EMBED,), dtype=jnp.float32) * 0.02
    # raw_inputs buffer: Normalize(mean, std)(ones * 127/255), shape [1, 3, IMG, IMG]
    per_chan = (127.0 / 255.0 - IMAGENET_MEAN) / IMAGENET_STD
    raw_inputs = jnp.asarray(
        np.broadcast_to(per_chan.reshape(1, 3, 1, 1), (1, 3, IMG, IMG)).copy(),
        dtype=jnp.float32,
    )
    return {
        "x": x,
        "visable_index": visable_index,
        "conv_w": conv_w,
        "conv_b": conv_b,
        "raw_inputs": raw_inputs,
    }


def reference(x, visable_index, conv_w, conv_b, raw_inputs):
    b, _, c = x.shape
    # PatchEmbed: conv(kernel=stride=patch) then flatten spatial -> [1, N, C]
    feat = jax.lax.conv_general_dilated(
        raw_inputs,
        conv_w,
        window_strides=(PATCH, PATCH),
        padding="VALID",
        dimension_numbers=("NCHW", "OIHW", "NCHW"),
    )
    feat = feat + conv_b[None, :, None, None]
    emb = feat.reshape(1, c, -1).transpose(0, 2, 1)  # [1, N, C]
    emb = jnp.broadcast_to(emb, (b, emb.shape[1], c))  # expand(b, -1, -1)
    emb = jnp.concatenate([jnp.zeros((b, 1, c), dtype=x.dtype), emb], axis=1)
    # scatter-overwrite: embedding[:, visable_index, :] = x
    emb = emb.at[:, visable_index, :].set(x)
    return emb

if __name__ == "__main__":
    import jax
    _d = setup_inputs()
    print(jax.jit(kernel)(*tuple(_d.values())))

</pallas_src>

<mosaic_0001>
#map = affine_map<(d0, d1) -> (0)>
module attributes {stable_mosaic.version = 14 : i64} {
  func.func @_lambda_(%arg0: i32, %arg1: i32, %arg2: memref<12632064xf32, #tpu.memory_space<hbm>>, %arg3: memref<50380800xf32, #tpu.memory_space<hbm>>, %arg4: memref<62976xf32, #tpu.memory_space<vmem>>, %arg5: memref<!tpu.dma_semaphore, #tpu.memory_space<semaphore_mem>>) attributes {dimension_semantics = [#tpu.dimension_semantics<core_parallel>, #tpu.dimension_semantics<subcore_parallel>], iteration_bounds = array<i64: 2, 16>, scalar_prefetch = 0 : i64, scratch_operands = 2 : i64, tpu.core_type = #tpu.core_type<sc_vector_subcore>, window_params = [{transform_indices = #map}, {transform_indices = #map}]} {
    %mul3A = arith.constant 2 : i32
    %mul3A_0 = arith.muli %arg1, %mul3A : i32
    %add3A = arith.addi %mul3A_0, %arg0 : i32
    "tpu.region"() ({
      %run_scoped3A = tpu.sem_alloc : memref<!tpu.dma_semaphore, #tpu.memory_space<semaphore_mem>>
      %dma_start3A_249 = arith.constant 0 : i32
      %dma_start3A_250 = tpu.memref_slice %arg2[%dma_start3A_249] : memref<12632064xf32, #tpu.memory_space<hbm>> -> memref<62976xf32, #tpu.memory_space<hbm>>
      %dma_start3A_251 = arith.constant 0 : i32
      %dma_start3A_252 = tpu.memref_slice %arg2[%dma_start3A_251] : memref<12632064xf32, #tpu.memory_space<hbm>> -> memref<62976xf32, #tpu.memory_space<hbm>>
      tpu.enqueue_dma source(%dma_start3A_252 : memref<62976xf32, #tpu.memory_space<hbm>>) target(%arg4 : memref<62976xf32, #tpu.memory_space<vmem>>) target_semaphore(%run_scoped3A : memref<!tpu.dma_semaphore, #tpu.memory_space<semaphore_mem>>)
      %dma_wait3A_253 = arith.constant 0 : i32
      %dma_wait3A_254 = tpu.memref_slice %arg2[%dma_wait3A_253] : memref<12632064xf32, #tpu.memory_space<hbm>> -> memref<62976xf32, #tpu.memory_space<hbm>>
      %dma_wait3A_255 = arith.constant 0 : i32
      %dma_wait3A_256 = tpu.memref_slice %arg2[%dma_wait3A_255] : memref<12632064xf32, #tpu.memory_space<hbm>> -> memref<62976xf32, #tpu.memory_space<hbm>>
      tpu.wait_dma2 semaphore(%run_scoped3A : memref<!tpu.dma_semaphore, #tpu.memory_space<semaphore_mem>>) src(%dma_wait3A_256 : memref<62976xf32, #tpu.memory_space<hbm>>) dst(%arg4 : memref<62976xf32, #tpu.memory_space<vmem>>)
      tpu.yield
    }) : () -> ()
    %mul3A_1 = arith.constant 25 : i32
    %mul3A_2 = arith.muli %add3A, %mul3A_1 : i32
    %add3A_3 = arith.constant 0 : i32
    %add3A_4 = arith.addi %mul3A_2, %add3A_3 : i32
    %mul3A_5 = arith.constant 62976 : i32
    %mul3A_6 = arith.muli %add3A_4, %mul3A_5 : i32
    %dma_start3A = tpu.memref_slice %arg3[%mul3A_6] : memref<50380800xf32, #tpu.memory_space<hbm>> -> memref<62976xf32, #tpu.memory_space<hbm>>
    %dma_start3A_7 = tpu.memref_slice %arg3[%mul3A_6] : memref<50380800xf32, #tpu.memory_space<hbm>> -> memref<62976xf32, #tpu.memory_space<hbm>>
    tpu.enqueue_dma source(%arg4 : memref<62976xf32, #tpu.memory_space<vmem>>) target(%dma_start3A_7 : memref<62976xf32, #tpu.memory_space<hbm>>) target_semaphore(%arg5 : memref<!tpu.dma_semaphore, #tpu.memory_space<semaphore_mem>>)
    %mul3A_8 = arith.constant 25 : i32
    %mul3A_9 = arith.muli %add3A, %mul3A_8 : i32
    %add3A_10 = arith.constant 1 : i32
    %add3A_11 = arith.addi %mul3A_9, %add3A_10 : i32
    %mul3A_12 = arith.constant 62976 : i32
    %mul3A_13 = arith.muli %add3A_11, %mul3A_12 : i32
    %dma_start3A_14 = tpu.memref_slice %arg3[%mul3A_13] : memref<50380800xf32, #tpu.memory_space<hbm>> -> memref<62976xf32, #tpu.memory_space<hbm>>
    %dma_start3A_15 = tpu.memref_slice %arg3[%mul3A_13] : memref<50380800xf32, #tpu.memory_space<hbm>> -> memref<62976xf32, #tpu.memory_space<hbm>>
    tpu.enqueue_dma source(%arg4 : memref<62976xf32, #tpu.memory_space<vmem>>) target(%dma_start3A_15 : memref<62976xf32, #tpu.memory_space<hbm>>) target_semaphore(%arg5 : memref<!tpu.dma_semaphore, #tpu.memory_space<semaphore_mem>>)
    %mul3A_16 = arith.constant 25 : i32
    %mul3A_17 = arith.muli %add3A, %mul3A_16 : i32
    %add3A_18 = arith.constant 2 : i32
    %add3A_19 = arith.addi %mul3A_17, %add3A_18 : i32
    %mul3A_20 = arith.constant 62976 : i32
    %mul3A_21 = arith.muli %add3A_19, %mul3A_20 : i32
    %dma_start3A_22 = tpu.memref_slice %arg3[%mul3A_21] : memref<50380800xf32, #tpu.memory_space<hbm>> -> memref<62976xf32, #tpu.memory_space<hbm>>
    %dma_start3A_23 = tpu.memref_slice %arg3[%mul3A_21] : memref<50380800xf32, #tpu.memory_space<hbm>> -> memref<62976xf32, #tpu.memory_space<hbm>>
    tpu.enqueue_dma source(%arg4 : memref<62976xf32, #tpu.memory_space<vmem>>) target(%dma_start3A_23 : memref<62976xf32, #tpu.memory_space<hbm>>) target_semaphore(%arg5 : memref<!tpu.dma_semaphore, #tpu.memory_space<semaphore_mem>>)
    %mul3A_24 = arith.constant 25 : i32
    %mul3A_25 = arith.muli %add3A, %mul3A_24 : i32
    %add3A_26 = arith.constant 3 : i32
    %add3A_27 = arith.addi %mul3A_25, %add3A_26 : i32
    %mul3A_28 = arith.constant 62976 : i32
    %mul3A_29 = arith.muli %add3A_27, %mul3A_28 : i32
    %dma_start3A_30 = tpu.memref_slice %arg3[%mul3A_29] : memref<50380800xf32, #tpu.memory_space<hbm>> -> memref<62976xf32, #tpu.memory_space<hbm>>
    %dma_start3A_31 = tpu.memref_slice %arg3[%mul3A_29] : memref<50380800xf32, #tpu.memory_space<hbm>> -> memref<62976xf32, #tpu.memory_space<hbm>>
    tpu.enqueue_dma source(%arg4 : memref<62976xf32, #tpu.memory_space<vmem>>) target(%dma_start3A_31 : memref<62976xf32, #tpu.memory_space<hbm>>) target_semaphore(%arg5 : memref<!tpu.dma_semaphore, #tpu.memory_space<semaphore_mem>>)
    %mul3A_32 = arith.constant 25 : i32
    %mul3A_33 = arith.muli %add3A, %mul3A_32 : i32
    %add3A_34 = arith.constant 4 : i32
    %add3A_35 = arith.addi %mul3A_33, %add3A_34 : i32
    %mul3A_36 = arith.constant 62976 : i32
    %mul3A_37 = arith.muli %add3A_35, %mul3A_36 : i32
    %dma_start3A_38 = tpu.memref_slice %arg3[%mul3A_37] : memref<50380800xf32, #tpu.memory_space<hbm>> -> memref<62976xf32, #tpu.memory_space<hbm>>
    %dma_start3A_39 = tpu.memref_slice %arg3[%mul3A_37] : memref<50380800xf32, #tpu.memory_space<hbm>> -> memref<62976xf32, #tpu.memory_space<hbm>>
    tpu.enqueue_dma source(%arg4 : memref<62976xf32, #tpu.memory_space<vmem>>) target(%dma_start3A_39 : memref<62976xf32, #tpu.memory_space<hbm>>) target_semaphore(%arg5 : memref<!tpu.dma_semaphore, #tpu.memory_space<semaphore_mem>>)
    %mul3A_40 = arith.constant 25 : i32
    %mul3A_41 = arith.muli %add3A, %mul3A_40 : i32
    %add3A_42 = arith.constant 5 : i32
    %add3A_43 = arith.addi %mul3A_41, %add3A_42 : i32
    %mul3A_44 = arith.constant 62976 : i32
    %mul3A_45 = arith.muli %add3A_43, %mul3A_44 : i32
    %dma_start3A_46 = tpu.memref_slice %arg3[%mul3A_45] : memref<50380800xf32, #tpu.memory_space<hbm>> -> memref<62976xf32, #tpu.memory_space<hbm>>
    %dma_start3A_47 = tpu.memref_slice %arg3[%mul3A_45] : memref<50380800xf32, #tpu.memory_space<hbm>> -> memref<62976xf32, #tpu.memory_space<hbm>>
    tpu.enqueue_dma source(%arg4 : memref<62976xf32, #tpu.memory_space<vmem>>) target(%dma_start3A_47 : memref<62976xf32, #tpu.memory_space<hbm>>) target_semaphore(%arg5 : memref<!tpu.dma_semaphore, #tpu.memory_space<semaphore_mem>>)
    %mul3A_48 = arith.constant 25 : i32
    %mul3A_49 = arith.muli %add3A, %mul3A_48 : i32
    %add3A_50 = arith.constant 6 : i32
    %add3A_51 = arith.addi %mul3A_49, %add3A_50 : i32
    %mul3A_52 = arith.constant 62976 : i32
    %mul3A_53 = arith.muli %add3A_51, %mul3A_52 : i32
    %dma_start3A_54 = tpu.memref_slice %arg3[%mul3A_53] : memref<50380800xf32, #tpu.memory_space<hbm>> -> memref<62976xf32, #tpu.memory_space<hbm>>
    %dma_start3A_55 = tpu.memref_slice %arg3[%mul3A_53] : memref<50380800xf32, #tpu.memory_space<hbm>> -> memref<62976xf32, #tpu.memory_space<hbm>>
    tpu.enqueue_dma source(%arg4 : memref<62976xf32, #tpu.memory_space<vmem>>) target(%dma_start3A_55 : memref<62976xf32, #tpu.memory_space<hbm>>) target_semaphore(%arg5 : memref<!tpu.dma_semaphore, #tpu.memory_space<semaphore_mem>>)
    %mul3A_56 = arith.constant 25 : i32
    %mul3A_57 = arith.muli %add3A, %mul3A_56 : i32
    %add3A_58 = arith.constant 7 : i32
    %add3A_59 = arith.addi %mul3A_57, %add3A_58 : i32
    %mul3A_60 = arith.constant 62976 : i32
    %mul3A_61 = arith.muli %add3A_59, %mul3A_60 : i32
    %dma_start3A_62 = tpu.memref_slice %arg3[%mul3A_61] : memref<50380800xf32, #tpu.memory_space<hbm>> -> memref<62976xf32, #tpu.memory_space<hbm>>
    %dma_start3A_63 = tpu.memref_slice %arg3[%mul3A_61] : memref<50380800xf32, #tpu.memory_space<hbm>> -> memref<62976xf32, #tpu.memory_space<hbm>>
    tpu.enqueue_dma source(%arg4 : memref<62976xf32, #tpu.memory_space<vmem>>) target(%dma_start3A_63 : memref<62976xf32, #tpu.memory_space<hbm>>) target_semaphore(%arg5 : memref<!tpu.dma_semaphore, #tpu.memory_space<semaphore_mem>>)
    %mul3A_64 = arith.constant 25 : i32
    %mul3A_65 = arith.muli %add3A, %mul3A_64 : i32
    %add3A_66 = arith.constant 8 : i32
    %add3A_67 = arith.addi %mul3A_65, %add3A_66 : i32
    %mul3A_68 = arith.constant 62976 : i32
    %mul3A_69 = arith.muli %add3A_67, %mul3A_68 : i32
    %dma_start3A_70 = tpu.memref_slice %arg3[%mul3A_69] : memref<50380800xf32, #tpu.memory_space<hbm>> -> memref<62976xf32, #tpu.memory_space<hbm>>
    %dma_start3A_71 = tpu.memref_slice %arg3[%mul3A_69] : memref<50380800xf32, #tpu.memory_space<hbm>> -> memref<62976xf32, #tpu.memory_space<hbm>>
    tpu.enqueue_dma source(%arg4 : memref<62976xf32, #tpu.memory_space<vmem>>) target(%dma_start3A_71 : memref<62976xf32, #tpu.memory_space<hbm>>) target_semaphore(%arg5 : memref<!tpu.dma_semaphore, #tpu.memory_space<semaphore_mem>>)
    %mul3A_72 = arith.constant 25 : i32
    %mul3A_73 = arith.muli %add3A, %mul3A_72 : i32
    %add3A_74 = arith.constant 9 : i32
    %add3A_75 = arith.addi %mul3A_73, %add3A_74 : i32
    %mul3A_76 = arith.constant 62976 : i32
    %mul3A_77 = arith.muli %add3A_75, %mul3A_76 : i32
    %dma_start3A_78 = tpu.memref_slice %arg3[%mul3A_77] : memref<50380800xf32, #tpu.memory_space<hbm>> -> memref<62976xf32, #tpu.memory_space<hbm>>
    %dma_start3A_79 = tpu.memref_slice %arg3[%mul3A_77] : memref<50380800xf32, #tpu.memory_space<hbm>> -> memref<62976xf32, #tpu.memory_space<hbm>>
    tpu.enqueue_dma source(%arg4 : memref<62976xf32, #tpu.memory_space<vmem>>) target(%dma_start3A_79 : memref<62976xf32, #tpu.memory_space<hbm>>) target_semaphore(%arg5 : memref<!tpu.dma_semaphore, #tpu.memory_space<semaphore_mem>>)
    %mul3A_80 = arith.constant 25 : i32
    %mul3A_81 = arith.muli %add3A, %mul3A_80 : i32
    %add3A_82 = arith.constant 10 : i32
    %add3A_83 = arith.addi %mul3A_81, %add3A_82 : i32
    %mul3A_84 = arith.constant 62976 : i32
    %mul3A_85 = arith.muli %add3A_83, %mul3A_84 : i32
    %dma_start3A_86 = tpu.memref_slice %arg3[%mul3A_85] : memref<50380800xf32, #tpu.memory_space<hbm>> -> memref<62976xf32, #tpu.memory_space<hbm>>
    %dma_start3A_87 = tpu.memref_slice %arg3[%mul3A_85] : memref<50380800xf32, #tpu.memory_space<hbm>> -> memref<62976xf32, #tpu.memory_space<hbm>>
    tpu.enqueue_dma source(%arg4 : memref<62976xf32, #tpu.memory_space<vmem>>) target(%dma_start3A_87 : memref<62976xf32, #tpu.memory_space<hbm>>) target_semaphore(%arg5 : memref<!tpu.dma_semaphore, #tpu.memory_space<semaphore_mem>>)
    %mul3A_88 = arith.constant 25 : i32
    %mul3A_89 = arith.muli %add3A, %mul3A_88 : i32
    %add3A_90 = arith.constant 11 : i32
    %add3A_91 = arith.addi %mul3A_89, %add3A_90 : i32
    %mul3A_92 = arith.constant 62976 : i32
    %mul3A_93 = arith.muli %add3A_91, %mul3A_92 : i32
    %dma_start3A_94 = tpu.memref_slice %arg3[%mul3A_93] : memref<50380800xf32, #tpu.memory_space<hbm>> -> memref<62976xf32, #tpu.memory_space<hbm>>
    %dma_start3A_95 = tpu.memref_slice %arg3[%mul3A_93] : memref<50380800xf32, #tpu.memory_space<hbm>> -> memref<62976xf32, #tpu.memory_space<hbm>>
    tpu.enqueue_dma source(%arg4 : memref<62976xf32, #tpu.memory_space<vmem>>) target(%dma_start3A_95 : memref<62976xf32, #tpu.memory_space<hbm>>) target_semaphore(%arg5 : memref<!tpu.dma_semaphore, #tpu.memory_space<semaphore_mem>>)
    %mul3A_96 = arith.constant 25 : i32
    %mul3A_97 = arith.muli %add3A, %mul3A_96 : i32
    %add3A_98 = arith.constant 12 : i32
    %add3A_99 = arith.addi %mul3A_97, %add3A_98 : i32
    %mul3A_100 = arith.constant 62976 : i32
    %mul3A_101 = arith.muli %add3A_99, %mul3A_100 : i32
    %dma_start3A_102 = tpu.memref_slice %arg3[%mul3A_101] : memref<50380800xf32, #tpu.memory_space<hbm>> -> memref<62976xf32, #tpu.memory_space<hbm>>
    %dma_start3A_103 = tpu.memref_slice %arg3[%mul3A_101] : memref<50380800xf32, #tpu.memory_space<hbm>> -> memref<62976xf32, #tpu.memory_space<hbm>>
    tpu.enqueue_dma source(%arg4 : memref<62976xf32, #tpu.memory_space<vmem>>) target(%dma_start3A_103 : memref<62976xf32, #tpu.memory_space<hbm>>) target_semaphore(%arg5 : memref<!tpu.dma_semaphore, #tpu.memory_space<semaphore_mem>>)
    %mul3A_104 = arith.constant 25 : i32
    %mul3A_105 = arith.muli %add3A, %mul3A_104 : i32
    %add3A_106 = arith.constant 13 : i32
    %add3A_107 = arith.addi %mul3A_105, %add3A_106 : i32
    %mul3A_108 = arith.constant 62976 : i32
    %mul3A_109 = arith.muli %add3A_107, %mul3A_108 : i32
    %dma_start3A_110 = tpu.memref_slice %arg3[%mul3A_109] : memref<50380800xf32, #tpu.memory_space<hbm>> -> memref<62976xf32, #tpu.memory_space<hbm>>
    %dma_start3A_111 = tpu.memref_slice %arg3[%mul3A_109] : memref<50380800xf32, #tpu.memory_space<hbm>> -> memref<62976xf32, #tpu.memory_space<hbm>>
    tpu.enqueue_dma source(%arg4 : memref<62976xf32, #tpu.memory_space<vmem>>) target(%dma_start3A_111 : memref<62976xf32, #tpu.memory_space<hbm>>) target_semaphore(%arg5 : memref<!tpu.dma_semaphore, #tpu.memory_space<semaphore_mem>>)
    %mul3A_112 = arith.constant 25 : i32
    %mul3A_113 = arith.muli %add3A, %mul3A_112 : i32
    %add3A_114 = arith.constant 14 : i32
    %add3A_115 = arith.addi %mul3A_113, %add3A_114 : i32
    %mul3A_116 = arith.constant 62976 : i32
    %mul3A_117 = arith.muli %add3A_115, %mul3A_116 : i32
    %dma_start3A_118 = tpu.memref_slice %arg3[%mul3A_117] : memref<50380800xf32, #tpu.memory_space<hbm>> -> memref<62976xf32, #tpu.memory_space<hbm>>
    %dma_start3A_119 = tpu.memref_slice %arg3[%mul3A_117] : memref<50380800xf32, #tpu.memory_space<hbm>> -> memref<62976xf32, #tpu.memory_space<hbm>>
    tpu.enqueue_dma source(%arg4 : memref<62976xf32, #tpu.memory_space<vmem>>) target(%dma_start3A_119 : memref<62976xf32, #tpu.memory_space<hbm>>) target_semaphore(%arg5 : memref<!tpu.dma_semaphore, #tpu.memory_space<semaphore_mem>>)
    %mul3A_120 = arith.constant 25 : i32
    %mul3A_121 = arith.muli %add3A, %mul3A_120 : i32
    %add3A_122 = arith.constant 15 : i32
    %add3A_123 = arith.addi %mul3A_121, %add3A_122 : i32
    %mul3A_124 = arith.constant 62976 : i32
    %mul3A_125 = arith.muli %add3A_123, %mul3A_124 : i32
    %dma_start3A_126 = tpu.memref_slice %arg3[%mul3A_125] : memref<50380800xf32, #tpu.memory_space<hbm>> -> memref<62976xf32, #tpu.memory_space<hbm>>
    %dma_start3A_127 = tpu.memref_slice %arg3[%mul3A_125] : memref<50380800xf32, #tpu.memory_space<hbm>> -> memref<62976xf32, #tpu.memory_space<hbm>>
    tpu.enqueue_dma source(%arg4 : memref<62976xf32, #tpu.memory_space<vmem>>) target(%dma_start3A_127 : memref<62976xf32, #tpu.memory_space<hbm>>) target_semaphore(%arg5 : memref<!tpu.dma_semaphore, #tpu.memory_space<semaphore_mem>>)
    %mul3A_128 = arith.constant 25 : i32
    %mul3A_129 = arith.muli %add3A, %mul3A_128 : i32
    %add3A_130 = arith.constant 16 : i32
    %add3A_131 = arith.addi %mul3A_129, %add3A_130 : i32
    %mul3A_132 = arith.constant 62976 : i32
    %mul3A_133 = arith.muli %add3A_131, %mul3A_132 : i32
    %dma_start3A_134 = tpu.memref_slice %arg3[%mul3A_133] : memref<50380800xf32, #tpu.memory_space<hbm>> -> memref<62976xf32, #tpu.memory_space<hbm>>
    %dma_start3A_135 = tpu.memref_slice %arg3[%mul3A_133] : memref<50380800xf32, #tpu.memory_space<hbm>> -> memref<62976xf32, #tpu.memory_space<hbm>>
    tpu.enqueue_dma source(%arg4 : memref<62976xf32, #tpu.memory_space<vmem>>) target(%dma_start3A_135 : memref<62976xf32, #tpu.memory_space<hbm>>) target_semaphore(%arg5 : memref<!tpu.dma_semaphore, #tpu.memory_space<semaphore_mem>>)
    %mul3A_136 = arith.constant 25 : i32
    %mul3A_137 = arith.muli %add3A, %mul3A_136 : i32
    %add3A_138 = arith.constant 17 : i32
    %add3A_139 = arith.addi %mul3A_137, %add3A_138 : i32
    %mul3A_140 = arith.constant 62976 : i32
    %mul3A_141 = arith.muli %add3A_139, %mul3A_140 : i32
    %dma_start3A_142 = tpu.memref_slice %arg3[%mul3A_141] : memref<50380800xf32, #tpu.memory_space<hbm>> -> memref<62976xf32, #tpu.memory_space<hbm>>
    %dma_start3A_143 = tpu.memref_slice %arg3[%mul3A_141] : memref<50380800xf32, #tpu.memory_space<hbm>> -> memref<62976xf32, #tpu.memory_space<hbm>>
    tpu.enqueue_dma source(%arg4 : memref<62976xf32, #tpu.memory_space<vmem>>) target(%dma_start3A_143 : memref<62976xf32, #tpu.memory_space<hbm>>) target_semaphore(%arg5 : memref<!tpu.dma_semaphore, #tpu.memory_space<semaphore_mem>>)
    %mul3A_144 = arith.constant 25 : i32
    %mul3A_145 = arith.muli %add3A, %mul3A_144 : i32
    %add3A_146 = arith.constant 18 : i32
    %add3A_147 = arith.addi %mul3A_145, %add3A_146 : i32
    %mul3A_148 = arith.constant 62976 : i32
    %mul3A_149 = arith.muli %add3A_147, %mul3A_148 : i32
    %dma_start3A_150 = tpu.memref_slice %arg3[%mul3A_149] : memref<50380800xf32, #tpu.memory_space<hbm>> -> memref<62976xf32, #tpu.memory_space<hbm>>
    %dma_start3A_151 = tpu.memref_slice %arg3[%mul3A_149] : memref<50380800xf32, #tpu.memory_space<hbm>> -> memref<62976xf32, #tpu.memory_space<hbm>>
    tpu.enqueue_dma source(%arg4 : memref<62976xf32, #tpu.memory_space<vmem>>) target(%dma_start3A_151 : memref<62976xf32, #tpu.memory_space<hbm>>) target_semaphore(%arg5 : memref<!tpu.dma_semaphore, #tpu.memory_space<semaphore_mem>>)
    %mul3A_152 = arith.constant 25 : i32
    %mul3A_153 = arith.muli %add3A, %mul3A_152 : i32
    %add3A_154 = arith.constant 19 : i32
    %add3A_155 = arith.addi %mul3A_153, %add3A_154 : i32
    %mul3A_156 = arith.constant 62976 : i32
    %mul3A_157 = arith.muli %add3A_155, %mul3A_156 : i32
    %dma_start3A_158 = tpu.memref_slice %arg3[%mul3A_157] : memref<50380800xf32, #tpu.memory_space<hbm>> -> memref<62976xf32, #tpu.memory_space<hbm>>
    %dma_start3A_159 = tpu.memref_slice %arg3[%mul3A_157] : memref<50380800xf32, #tpu.memory_space<hbm>> -> memref<62976xf32, #tpu.memory_space<hbm>>
    tpu.enqueue_dma source(%arg4 : memref<62976xf32, #tpu.memory_space<vmem>>) target(%dma_start3A_159 : memref<62976xf32, #tpu.memory_space<hbm>>) target_semaphore(%arg5 : memref<!tpu.dma_semaphore, #tpu.memory_space<semaphore_mem>>)
    %mul3A_160 = arith.constant 25 : i32
    %mul3A_161 = arith.muli %add3A, %mul3A_160 : i32
    %add3A_162 = arith.constant 20 : i32
    %add3A_163 = arith.addi %mul3A_161, %add3A_162 : i32
    %mul3A_164 = arith.constant 62976 : i32
    %mul3A_165 = arith.muli %add3A_163, %mul3A_164 : i32
    %dma_start3A_166 = tpu.memref_slice %arg3[%mul3A_165] : memref<50380800xf32, #tpu.memory_space<hbm>> -> memref<62976xf32, #tpu.memory_space<hbm>>
    %dma_start3A_167 = tpu.memref_slice %arg3[%mul3A_165] : memref<50380800xf32, #tpu.memory_space<hbm>> -> memref<62976xf32, #tpu.memory_space<hbm>>
    tpu.enqueue_dma source(%arg4 : memref<62976xf32, #tpu.memory_space<vmem>>) target(%dma_start3A_167 : memref<62976xf32, #tpu.memory_space<hbm>>) target_semaphore(%arg5 : memref<!tpu.dma_semaphore, #tpu.memory_space<semaphore_mem>>)
    %mul3A_168 = arith.constant 25 : i32
    %mul3A_169 = arith.muli %add3A, %mul3A_168 : i32
    %add3A_170 = arith.constant 21 : i32
    %add3A_171 = arith.addi %mul3A_169, %add3A_170 : i32
    %mul3A_172 = arith.constant 62976 : i32
    %mul3A_173 = arith.muli %add3A_171, %mul3A_172 : i32
    %dma_start3A_174 = tpu.memref_slice %arg3[%mul3A_173] : memref<50380800xf32, #tpu.memory_space<hbm>> -> memref<62976xf32, #tpu.memory_space<hbm>>
    %dma_start3A_175 = tpu.memref_slice %arg3[%mul3A_173] : memref<50380800xf32, #tpu.memory_space<hbm>> -> memref<62976xf32, #tpu.memory_space<hbm>>
    tpu.enqueue_dma source(%arg4 : memref<62976xf32, #tpu.memory_space<vmem>>) target(%dma_start3A_175 : memref<62976xf32, #tpu.memory_space<hbm>>) target_semaphore(%arg5 : memref<!tpu.dma_semaphore, #tpu.memory_space<semaphore_mem>>)
    %mul3A_176 = arith.constant 25 : i32
    %mul3A_177 = arith.muli %add3A, %mul3A_176 : i32
    %add3A_178 = arith.constant 22 : i32
    %add3A_179 = arith.addi %mul3A_177, %add3A_178 : i32
    %mul3A_180 = arith.constant 62976 : i32
    %mul3A_181 = arith.muli %add3A_179, %mul3A_180 : i32
    %dma_start3A_182 = tpu.memref_slice %arg3[%mul3A_181] : memref<50380800xf32, #tpu.memory_space<hbm>> -> memref<62976xf32, #tpu.memory_space<hbm>>
    %dma_start3A_183 = tpu.memref_slice %arg3[%mul3A_181] : memref<50380800xf32, #tpu.memory_space<hbm>> -> memref<62976xf32, #tpu.memory_space<hbm>>
    tpu.enqueue_dma source(%arg4 : memref<62976xf32, #tpu.memory_space<vmem>>) target(%dma_start3A_183 : memref<62976xf32, #tpu.memory_space<hbm>>) target_semaphore(%arg5 : memref<!tpu.dma_semaphore, #tpu.memory_space<semaphore_mem>>)
    %mul3A_184 = arith.constant 25 : i32
    %mul3A_185 = arith.muli %add3A, %mul3A_184 : i32
    %add3A_186 = arith.constant 23 : i32
    %add3A_187 = arith.addi %mul3A_185, %add3A_186 : i32
    %mul3A_188 = arith.constant 62976 : i32
    %mul3A_189 = arith.muli %add3A_187, %mul3A_188 : i32
    %dma_start3A_190 = tpu.memref_slice %arg3[%mul3A_189] : memref<50380800xf32, #tpu.memory_space<hbm>> -> memref<62976xf32, #tpu.memory_space<hbm>>
    %dma_start3A_191 = tpu.memref_slice %arg3[%mul3A_189] : memref<50380800xf32, #tpu.memory_space<hbm>> -> memref<62976xf32, #tpu.memory_space<hbm>>
    tpu.enqueue_dma source(%arg4 : memref<62976xf32, #tpu.memory_space<vmem>>) target(%dma_start3A_191 : memref<62976xf32, #tpu.memory_space<hbm>>) target_semaphore(%arg5 : memref<!tpu.dma_semaphore, #tpu.memory_space<semaphore_mem>>)
    %mul3A_192 = arith.constant 25 : i32
    %mul3A_193 = arith.muli %add3A, %mul3A_192 : i32
    %add3A_194 = arith.constant 24 : i32
    %add3A_195 = arith.addi %mul3A_193, %add3A_194 : i32
    %mul3A_196 = arith.constant 62976 : i32
    %mul3A_197 = arith.muli %add3A_195, %mul3A_196 : i32
    %dma_start3A_198 = tpu.memref_slice %arg3[%mul3A_197] : memref<50380800xf32, #tpu.memory_space<hbm>> -> memref<62976xf32, #tpu.memory_space<hbm>>
    %dma_start3A_199 = tpu.memref_slice %arg3[%mul3A_197] : memref<50380800xf32, #tpu.memory_space<hbm>> -> memref<62976xf32, #tpu.memory_space<hbm>>
    tpu.enqueue_dma source(%arg4 : memref<62976xf32, #tpu.memory_space<vmem>>) target(%dma_start3A_199 : memref<62976xf32, #tpu.memory_space<hbm>>) target_semaphore(%arg5 : memref<!tpu.dma_semaphore, #tpu.memory_space<semaphore_mem>>)
    %dma_wait3A = tpu.memref_slice %arg3[%mul3A_6] : memref<50380800xf32, #tpu.memory_space<hbm>> -> memref<62976xf32, #tpu.memory_space<hbm>>
    %dma_wait3A_200 = tpu.memref_slice %arg3[%mul3A_6] : memref<50380800xf32, #tpu.memory_space<hbm>> -> memref<62976xf32, #tpu.memory_space<hbm>>
    tpu.wait_dma2 semaphore(%arg5 : memref<!tpu.dma_semaphore, #tpu.memory_space<semaphore_mem>>) src(%arg4 : memref<62976xf32, #tpu.memory_space<vmem>>) dst(%dma_wait3A_200 : memref<62976xf32, #tpu.memory_space<hbm>>)
    %dma_wait3A_201 = tpu.memref_slice %arg3[%mul3A_13] : memref<50380800xf32, #tpu.memory_space<hbm>> -> memref<62976xf32, #tpu.memory_space<hbm>>
    %dma_wait3A_202 = tpu.memref_slice %arg3[%mul3A_13] : memref<50380800xf32, #tpu.memory_space<hbm>> -> memref<62976xf32, #tpu.memory_space<hbm>>
    tpu.wait_dma2 semaphore(%arg5 : memref<!tpu.dma_semaphore, #tpu.memory_space<semaphore_mem>>) src(%arg4 : memref<62976xf32, #tpu.memory_space<vmem>>) dst(%dma_wait3A_202 : memref<62976xf32, #tpu.memory_space<hbm>>)
    %dma_wait3A_203 = tpu.memref_slice %arg3[%mul3A_21] : memref<50380800xf32, #tpu.memory_space<hbm>> -> memref<62976xf32, #tpu.memory_space<hbm>>
    %dma_wait3A_204 = tpu.memref_slice %arg3[%mul3A_21] : memref<50380800xf32, #tpu.memory_space<hbm>> -> memref<62976xf32, #tpu.memory_space<hbm>>
    tpu.wait_dma2 semaphore(%arg5 : memref<!tpu.dma_semaphore, #tpu.memory_space<semaphore_mem>>) src(%arg4 : memref<62976xf32, #tpu.memory_space<vmem>>) dst(%dma_wait3A_204 : memref<62976xf32, #tpu.memory_space<hbm>>)
    %dma_wait3A_205 = tpu.memref_slice %arg3[%mul3A_29] : memref<50380800xf32, #tpu.memory_space<hbm>> -> memref<62976xf32, #tpu.memory_space<hbm>>
    %dma_wait3A_206 = tpu.memref_slice %arg3[%mul3A_29] : memref<50380800xf32, #tpu.memory_space<hbm>> -> memref<62976xf32, #tpu.memory_space<hbm>>
    tpu.wait_dma2 semaphore(%arg5 : memref<!tpu.dma_semaphore, #tpu.memory_space<semaphore_mem>>) src(%arg4 : memref<62976xf32, #tpu.memory_space<vmem>>) dst(%dma_wait3A_206 : memref<62976xf32, #tpu.memory_space<hbm>>)
    %dma_wait3A_207 = tpu.memref_slice %arg3[%mul3A_37] : memref<50380800xf32, #tpu.memory_space<hbm>> -> memref<62976xf32, #tpu.memory_space<hbm>>
    %dma_wait3A_208 = tpu.memref_slice %arg3[%mul3A_37] : memref<50380800xf32, #tpu.memory_space<hbm>> -> memref<62976xf32, #tpu.memory_space<hbm>>
    tpu.wait_dma2 semaphore(%arg5 : memref<!tpu.dma_semaphore, #tpu.memory_space<semaphore_mem>>) src(%arg4 : memref<62976xf32, #tpu.memory_space<vmem>>) dst(%dma_wait3A_208 : memref<62976xf32, #tpu.memory_space<hbm>>)
    %dma_wait3A_209 = tpu.memref_slice %arg3[%mul3A_45] : memref<50380800xf32, #tpu.memory_space<hbm>> -> memref<62976xf32, #tpu.memory_space<hbm>>
    %dma_wait3A_210 = tpu.memref_slice %arg3[%mul3A_45] : memref<50380800xf32, #tpu.memory_space<hbm>> -> memref<62976xf32, #tpu.memory_space<hbm>>
    tpu.wait_dma2 semaphore(%arg5 : memref<!tpu.dma_semaphore, #tpu.memory_space<semaphore_mem>>) src(%arg4 : memref<62976xf32, #tpu.memory_space<vmem>>) dst(%dma_wait3A_210 : memref<62976xf32, #tpu.memory_space<hbm>>)
    %dma_wait3A_211 = tpu.memref_slice %arg3[%mul3A_53] : memref<50380800xf32, #tpu.memory_space<hbm>> -> memref<62976xf32, #tpu.memory_space<hbm>>
    %dma_wait3A_212 = tpu.memref_slice %arg3[%mul3A_53] : memref<50380800xf32, #tpu.memory_space<hbm>> -> memref<62976xf32, #tpu.memory_space<hbm>>
    tpu.wait_dma2 semaphore(%arg5 : memref<!tpu.dma_semaphore, #tpu.memory_space<semaphore_mem>>) src(%arg4 : memref<62976xf32, #tpu.memory_space<vmem>>) dst(%dma_wait3A_212 : memref<62976xf32, #tpu.memory_space<hbm>>)
    %dma_wait3A_213 = tpu.memref_slice %arg3[%mul3A_61] : memref<50380800xf32, #tpu.memory_space<hbm>> -> memref<62976xf32, #tpu.memory_space<hbm>>
    %dma_wait3A_214 = tpu.memref_slice %arg3[%mul3A_61] : memref<50380800xf32, #tpu.memory_space<hbm>> -> memref<62976xf32, #tpu.memory_space<hbm>>
    tpu.wait_dma2 semaphore(%arg5 : memref<!tpu.dma_semaphore, #tpu.memory_space<semaphore_mem>>) src(%arg4 : memref<62976xf32, #tpu.memory_space<vmem>>) dst(%dma_wait3A_214 : memref<62976xf32, #tpu.memory_space<hbm>>)
    %dma_wait3A_215 = tpu.memref_slice %arg3[%mul3A_69] : memref<50380800xf32, #tpu.memory_space<hbm>> -> memref<62976xf32, #tpu.memory_space<hbm>>
    %dma_wait3A_216 = tpu.memref_slice %arg3[%mul3A_69] : memref<50380800xf32, #tpu.memory_space<hbm>> -> memref<62976xf32, #tpu.memory_space<hbm>>
    tpu.wait_dma2 semaphore(%arg5 : memref<!tpu.dma_semaphore, #tpu.memory_space<semaphore_mem>>) src(%arg4 : memref<62976xf32, #tpu.memory_space<vmem>>) dst(%dma_wait3A_216 : memref<62976xf32, #tpu.memory_space<hbm>>)
    %dma_wait3A_217 = tpu.memref_slice %arg3[%mul3A_77] : memref<50380800xf32, #tpu.memory_space<hbm>> -> memref<62976xf32, #tpu.memory_space<hbm>>
    %dma_wait3A_218 = tpu.memref_slice %arg3[%mul3A_77] : memref<50380800xf32, #tpu.memory_space<hbm>> -> memref<62976xf32, #tpu.memory_space<hbm>>
    tpu.wait_dma2 semaphore(%arg5 : memref<!tpu.dma_semaphore, #tpu.memory_space<semaphore_mem>>) src(%arg4 : memref<62976xf32, #tpu.memory_space<vmem>>) dst(%dma_wait3A_218 : memref<62976xf32, #tpu.memory_space<hbm>>)
    %dma_wait3A_219 = tpu.memref_slice %arg3[%mul3A_85] : memref<50380800xf32, #tpu.memory_space<hbm>> -> memref<62976xf32, #tpu.memory_space<hbm>>
    %dma_wait3A_220 = tpu.memref_slice %arg3[%mul3A_85] : memref<50380800xf32, #tpu.memory_space<hbm>> -> memref<62976xf32, #tpu.memory_space<hbm>>
    tpu.wait_dma2 semaphore(%arg5 : memref<!tpu.dma_semaphore, #tpu.memory_space<semaphore_mem>>) src(%arg4 : memref<62976xf32, #tpu.memory_space<vmem>>) dst(%dma_wait3A_220 : memref<62976xf32, #tpu.memory_space<hbm>>)
    %dma_wait3A_221 = tpu.memref_slice %arg3[%mul3A_93] : memref<50380800xf32, #tpu.memory_space<hbm>> -> memref<62976xf32, #tpu.memory_space<hbm>>
    %dma_wait3A_222 = tpu.memref_slice %arg3[%mul3A_93] : memref<50380800xf32, #tpu.memory_space<hbm>> -> memref<62976xf32, #tpu.memory_space<hbm>>
    tpu.wait_dma2 semaphore(%arg5 : memref<!tpu.dma_semaphore, #tpu.memory_space<semaphore_mem>>) src(%arg4 : memref<62976xf32, #tpu.memory_space<vmem>>) dst(%dma_wait3A_222 : memref<62976xf32, #tpu.memory_space<hbm>>)
    %dma_wait3A_223 = tpu.memref_slice %arg3[%mul3A_101] : memref<50380800xf32, #tpu.memory_space<hbm>> -> memref<62976xf32, #tpu.memory_space<hbm>>
    %dma_wait3A_224 = tpu.memref_slice %arg3[%mul3A_101] : memref<50380800xf32, #tpu.memory_space<hbm>> -> memref<62976xf32, #tpu.memory_space<hbm>>
    tpu.wait_dma2 semaphore(%arg5 : memref<!tpu.dma_semaphore, #tpu.memory_space<semaphore_mem>>) src(%arg4 : memref<62976xf32, #tpu.memory_space<vmem>>) dst(%dma_wait3A_224 : memref<62976xf32, #tpu.memory_space<hbm>>)
    %dma_wait3A_225 = tpu.memref_slice %arg3[%mul3A_109] : memref<50380800xf32, #tpu.memory_space<hbm>> -> memref<62976xf32, #tpu.memory_space<hbm>>
    %dma_wait3A_226 = tpu.memref_slice %arg3[%mul3A_109] : memref<50380800xf32, #tpu.memory_space<hbm>> -> memref<62976xf32, #tpu.memory_space<hbm>>
    tpu.wait_dma2 semaphore(%arg5 : memref<!tpu.dma_semaphore, #tpu.memory_space<semaphore_mem>>) src(%arg4 : memref<62976xf32, #tpu.memory_space<vmem>>) dst(%dma_wait3A_226 : memref<62976xf32, #tpu.memory_space<hbm>>)
    %dma_wait3A_227 = tpu.memref_slice %arg3[%mul3A_117] : memref<50380800xf32, #tpu.memory_space<hbm>> -> memref<62976xf32, #tpu.memory_space<hbm>>
    %dma_wait3A_228 = tpu.memref_slice %arg3[%mul3A_117] : memref<50380800xf32, #tpu.memory_space<hbm>> -> memref<62976xf32, #tpu.memory_space<hbm>>
    tpu.wait_dma2 semaphore(%arg5 : memref<!tpu.dma_semaphore, #tpu.memory_space<semaphore_mem>>) src(%arg4 : memref<62976xf32, #tpu.memory_space<vmem>>) dst(%dma_wait3A_228 : memref<62976xf32, #tpu.memory_space<hbm>>)
    %dma_wait3A_229 = tpu.memref_slice %arg3[%mul3A_125] : memref<50380800xf32, #tpu.memory_space<hbm>> -> memref<62976xf32, #tpu.memory_space<hbm>>
    %dma_wait3A_230 = tpu.memref_slice %arg3[%mul3A_125] : memref<50380800xf32, #tpu.memory_space<hbm>> -> memref<62976xf32, #tpu.memory_space<hbm>>
    tpu.wait_dma2 semaphore(%arg5 : memref<!tpu.dma_semaphore, #tpu.memory_space<semaphore_mem>>) src(%arg4 : memref<62976xf32, #tpu.memory_space<vmem>>) dst(%dma_wait3A_230 : memref<62976xf32, #tpu.memory_space<hbm>>)
    %dma_wait3A_231 = tpu.memref_slice %arg3[%mul3A_133] : memref<50380800xf32, #tpu.memory_space<hbm>> -> memref<62976xf32, #tpu.memory_space<hbm>>
    %dma_wait3A_232 = tpu.memref_slice %arg3[%mul3A_133] : memref<50380800xf32, #tpu.memory_space<hbm>> -> memref<62976xf32, #tpu.memory_space<hbm>>
    tpu.wait_dma2 semaphore(%arg5 : memref<!tpu.dma_semaphore, #tpu.memory_space<semaphore_mem>>) src(%arg4 : memref<62976xf32, #tpu.memory_space<vmem>>) dst(%dma_wait3A_232 : memref<62976xf32, #tpu.memory_space<hbm>>)
    %dma_wait3A_233 = tpu.memref_slice %arg3[%mul3A_141] : memref<50380800xf32, #tpu.memory_space<hbm>> -> memref<62976xf32, #tpu.memory_space<hbm>>
    %dma_wait3A_234 = tpu.memref_slice %arg3[%mul3A_141] : memref<50380800xf32, #tpu.memory_space<hbm>> -> memref<62976xf32, #tpu.memory_space<hbm>>
    tpu.wait_dma2 semaphore(%arg5 : memref<!tpu.dma_semaphore, #tpu.memory_space<semaphore_mem>>) src(%arg4 : memref<62976xf32, #tpu.memory_space<vmem>>) dst(%dma_wait3A_234 : memref<62976xf32, #tpu.memory_space<hbm>>)
    %dma_wait3A_235 = tpu.memref_slice %arg3[%mul3A_149] : memref<50380800xf32, #tpu.memory_space<hbm>> -> memref<62976xf32, #tpu.memory_space<hbm>>
    %dma_wait3A_236 = tpu.memref_slice %arg3[%mul3A_149] : memref<50380800xf32, #tpu.memory_space<hbm>> -> memref<62976xf32, #tpu.memory_space<hbm>>
    tpu.wait_dma2 semaphore(%arg5 : memref<!tpu.dma_semaphore, #tpu.memory_space<semaphore_mem>>) src(%arg4 : memref<62976xf32, #tpu.memory_space<vmem>>) dst(%dma_wait3A_236 : memref<62976xf32, #tpu.memory_space<hbm>>)
    %dma_wait3A_237 = tpu.memref_slice %arg3[%mul3A_157] : memref<50380800xf32, #tpu.memory_space<hbm>> -> memref<62976xf32, #tpu.memory_space<hbm>>
    %dma_wait3A_238 = tpu.memref_slice %arg3[%mul3A_157] : memref<50380800xf32, #tpu.memory_space<hbm>> -> memref<62976xf32, #tpu.memory_space<hbm>>
    tpu.wait_dma2 semaphore(%arg5 : memref<!tpu.dma_semaphore, #tpu.memory_space<semaphore_mem>>) src(%arg4 : memref<62976xf32, #tpu.memory_space<vmem>>) dst(%dma_wait3A_238 : memref<62976xf32, #tpu.memory_space<hbm>>)
    %dma_wait3A_239 = tpu.memref_slice %arg3[%mul3A_165] : memref<50380800xf32, #tpu.memory_space<hbm>> -> memref<62976xf32, #tpu.memory_space<hbm>>
    %dma_wait3A_240 = tpu.memref_slice %arg3[%mul3A_165] : memref<50380800xf32, #tpu.memory_space<hbm>> -> memref<62976xf32, #tpu.memory_space<hbm>>
    tpu.wait_dma2 semaphore(%arg5 : memref<!tpu.dma_semaphore, #tpu.memory_space<semaphore_mem>>) src(%arg4 : memref<62976xf32, #tpu.memory_space<vmem>>) dst(%dma_wait3A_240 : memref<62976xf32, #tpu.memory_space<hbm>>)
    %dma_wait3A_241 = tpu.memref_slice %arg3[%mul3A_173] : memref<50380800xf32, #tpu.memory_space<hbm>> -> memref<62976xf32, #tpu.memory_space<hbm>>
    %dma_wait3A_242 = tpu.memref_slice %arg3[%mul3A_173] : memref<50380800xf32, #tpu.memory_space<hbm>> -> memref<62976xf32, #tpu.memory_space<hbm>>
    tpu.wait_dma2 semaphore(%arg5 : memref<!tpu.dma_semaphore, #tpu.memory_space<semaphore_mem>>) src(%arg4 : memref<62976xf32, #tpu.memory_space<vmem>>) dst(%dma_wait3A_242 : memref<62976xf32, #tpu.memory_space<hbm>>)
    %dma_wait3A_243 = tpu.memref_slice %arg3[%mul3A_181] : memref<50380800xf32, #tpu.memory_space<hbm>> -> memref<62976xf32, #tpu.memory_space<hbm>>
    %dma_wait3A_244 = tpu.memref_slice %arg3[%mul3A_181] : memref<50380800xf32, #tpu.memory_space<hbm>> -> memref<62976xf32, #tpu.memory_space<hbm>>
    tpu.wait_dma2 semaphore(%arg5 : memref<!tpu.dma_semaphore, #tpu.memory_space<semaphore_mem>>) src(%arg4 : memref<62976xf32, #tpu.memory_space<vmem>>) dst(%dma_wait3A_244 : memref<62976xf32, #tpu.memory_space<hbm>>)
    %dma_wait3A_245 = tpu.memref_slice %arg3[%mul3A_189] : memref<50380800xf32, #tpu.memory_space<hbm>> -> memref<62976xf32, #tpu.memory_space<hbm>>
    %dma_wait3A_246 = tpu.memref_slice %arg3[%mul3A_189] : memref<50380800xf32, #tpu.memory_space<hbm>> -> memref<62976xf32, #tpu.memory_space<hbm>>
    tpu.wait_dma2 semaphore(%arg5 : memref<!tpu.dma_semaphore, #tpu.memory_space<semaphore_mem>>) src(%arg4 : memref<62976xf32, #tpu.memory_space<vmem>>) dst(%dma_wait3A_246 : memref<62976xf32, #tpu.memory_space<hbm>>)
    %dma_wait3A_247 = tpu.memref_slice %arg3[%mul3A_197] : memref<50380800xf32, #tpu.memory_space<hbm>> -> memref<62976xf32, #tpu.memory_space<hbm>>
    %dma_wait3A_248 = tpu.memref_slice %arg3[%mul3A_197] : memref<50380800xf32, #tpu.memory_space<hbm>> -> memref<62976xf32, #tpu.memory_space<hbm>>
    tpu.wait_dma2 semaphore(%arg5 : memref<!tpu.dma_semaphore, #tpu.memory_space<semaphore_mem>>) src(%arg4 : memref<62976xf32, #tpu.memory_space<vmem>>) dst(%dma_wait3A_248 : memref<62976xf32, #tpu.memory_space<hbm>>)
    return
  }
}

</mosaic_0001>

<sc_bundles>
// kernel: kernel.3.cloned.1.call-start
scs
__scs_entry_jumppad:
0x0: {  	(pc) =	sbr.rel $0x88, $3  }
0x1: {  	(tag) =	ssettag $0x0;
	lr =	simm.s32 $0x1  }
0x2: {  	[smem:$0x3FA0] =	sst lr;
	_ =	strace $0xD0000000  }
0x3: {  	_ = 	snop  }
0x4: {  	_ = 	snop  }
0x5: {  	_ = 	snop  }
0x6: {  	_ = 	snop  }
0x7: {  	_ = 	snop  }
__scs_overlays_trampoline_lowered:
0x8: {  	[smem:$0x3FAF] =	sst s0  }
0x9: {  	[smem:$0x3FB0] =	sst s1  }
0xa: {  	[smem:$0x3FB1] =	sst s2  }
0xb: {  	[smem:$0x3FB2] =	sst s3  }
0xc: {  	[smem:$0x3FB3] =	sst s4  }
0xd: {  	[smem:$0x3FB4] =	sst s5  }
0xe: {  	[smem:$0x3FB5] =	sst s6  }
0xf: {  	[smem:$0x3FB6] =	sst s7  }
0x10: {  	[smem:$0x3FB7] =	sst s8  }
0x11: {  	[smem:$0x3FB8] =	sst s9;
	s0 =	simm.s32 @!p0 $0x0  }
0x12: {  	s1 =	sld [smem:$0x3F9E];
	s0 =	simm.s32 @p0 $0x1  }
0x13: {  	[smem:$0x3FB9] =	sst s0;
	s0 =	simm.s32 @!p1 $0x0  }
0x14: {  	s2 =	sld [smem:$0x3F9D];
	s0 =	simm.s32 @p1 $0x1  }
0x15: {  	[smem:$0x3FBA] =	sst s0;
	s0 =	simm.s32 @!p2 $0x0  }
0x16: {  	s3 =	sld [smem:$0x3FDB];
	s0 =	simm.s32 @p2 $0x1  }
0x17: {  	s4 =	simm.s32 $0x1BF5;
	[smem:$0x3FBC] =	sst s0  }
0x18: {  	s0 =	sld [smem:$0x3F9F];
	_ =	swait.ge [sflag:s4], $0x0  }
0x19: {  	s7 =	sld [smem:$0x3FA0]  }
0x1a: {  	s8 =	sadd.s32 $0xFFFFE003, lr  }
0x1b: {  	s9 =	sadd.s32 $0xFFFFFEF7, lr;
	s5 =	simm.s32 $0xFFFFFFFF;
	p2 =	slt.u32 s8, $0xFFFFF086  }
0x1c: {  	p1 =	slt.u32 s9, $0xF7A;
	s5 =	simm.s32 @!p2 $0x0  }
0x1d: {  	s5 =	simm.s32 @p1 $0x1;
	p0 =	seq.s32 s7, s2  }
0x1e: {  	s7 =	smul.u32 @!p0 $0xF7A, s2;
	p2 =	seq.s32 @!p0 s5, $0x0  }
0x1f: {  	s9 =	smul.u32 $0xF7A, s1;
	s8 =	simm.s32 @!p0 $0x1BF5;
	p2 =	por !p2, p0  }
0x20: {  	[sflag:s8] =	ssyncset.s32 @!p0 $0xFFFFF086;
	s6 =	sadd.s32 @!p0 s3, s7;
	s7 =	simm.s32 @!p0 $0x108  }
0x21: {  	s3 =	sadd.s32 s3, s9;
	s6 =	sadd.s32 @!p0 $0x88, s6;
	s7 =	simm.s32 @p2 $0x1082  }
0x22: {  	[simem:s7], [sflag:s8] =	dma.local @!p0 [hbm:s6], $0xF7A  }
0x23: {  	s9 =	sor.u32 $0xD0000000, s2;
	s6 =	simm.s32 $0x108;
	_ =	swait.ge @!p0 [sflag:s8], $0x0  }
0x24: {  	s3 =	sadd.s32 $0x88, s3;
	s6 =	simm.s32 @!p1 $0x1082;
	[sflag:s4] =	ssyncset.s32 $0xFFFFF086  }
0x25: {  	[simem:s6], [sflag:s4] =	dma.local [hbm:s3], $0xF7A  }
0x26: {  	[smem:$0x3FA0] =	sst s1;
	(tag) =	ssettag s2;
	_ =	strace s9  }
0x27: {  	s1 =	sld [smem:$0x3FB0]  }
0x28: {  	s2 =	sld [smem:$0x3FB1]  }
0x29: {  	s4 =	sld [smem:$0x3FB3]  }
0x2a: {  	p0 =	seq.s32 s5, $0x0;
	s5 =	sld [smem:$0x3FB4]  }
0x2b: {  	s6 =	sld [smem:$0x3FB5]  }
0x2c: {  	s7 =	sld [smem:$0x3FB6]  }
0x2d: {  	s3 =	simm.s32 $0x108;
	s8 =	sld [smem:$0x3FB7]  }
0x2e: {  	s3 =	simm.s32 @!p0 $0x1082;
	s9 =	sld [smem:$0x3FB8]  }
0x2f: {  	lr =	sadd.s32 s0, s3;
	s0 =	sld [smem:$0x3FAF]  }
0x30: {  	s3 =	sld [smem:$0x3FB2]  }
0x31: {  	[smem:$0x3FBB] =	sst s10  }
0x32: {  	s10 =	sld [smem:$0x3FB9];
	_ =	sdelay $0x3  }
0x33: {  	p0 =	seq.s32 s10, $0x1;
	s10 =	sld [smem:$0x3FBB];
	_ =	sdelay $0x3  }
0x34: {  	[smem:$0x3FBB] =	sst s10  }
0x35: {  	s10 =	sld [smem:$0x3FBA];
	_ =	sdelay $0x3  }
0x36: {  	p1 =	seq.s32 s10, $0x1;
	s10 =	sld [smem:$0x3FBB];
	_ =	sdelay $0x3  }
0x37: {  	[smem:$0x3FBB] =	sst s10  }
0x38: {  	s10 =	sld [smem:$0x3FBC]  }
0x39: {  	_ = 	snop;
	(pc) =	sbr.ind lr, $3  }
0x3a: {  	_ = 	snop  }
0x3b: {  	_ = 	snop  }
0x3c: {  	p2 =	seq.s32 s10, $0x1;
	s10 =	sld [smem:$0x3FBB]  }
0x3d: {  	_ =	shalt  }
0x3e: {  	_ =	shalt  }
0x3f: {  	_ =	shalt  }
0x40: {  	_ =	shalt  }
0x41: {  	_ =	shalt  }
0x42: {  	_ =	shalt  }
0x43: {  	_ =	shalt  }
0x44: {  	_ =	shalt  }
0x45: {  	_ =	shalt  }
0x46: {  	_ =	shalt  }
0x47: {  	_ =	shalt  }
0x48: {  	_ =	shalt  }
0x49: {  	_ =	shalt  }
0x4a: {  	_ =	shalt  }
0x4b: {  	_ =	shalt  }
0x4c: {  	_ =	shalt  }
0x4d: {  	_ =	shalt  }
0x4e: {  	_ =	shalt  }
0x4f: {  	_ =	shalt  }
0x50: {  	_ =	shalt  }
0x51: {  	_ =	shalt  }
0x52: {  	_ =	shalt  }
0x53: {  	_ =	shalt  }
0x54: {  	_ =	shalt  }
0x55: {  	_ =	shalt  }
0x56: {  	_ =	shalt  }
0x57: {  	_ =	shalt  }
0x58: {  	_ =	shalt  }
0x59: {  	_ =	shalt  }
0x5a: {  	_ =	shalt  }
0x5b: {  	_ =	shalt  }
0x5c: {  	_ =	shalt  }
0x5d: {  	_ =	shalt  }
0x5e: {  	_ =	shalt  }
0x5f: {  	_ =	shalt  }
0x60: {  	_ =	shalt  }
0x61: {  	_ =	shalt  }
0x62: {  	_ =	shalt  }
0x63: {  	_ =	shalt  }
0x64: {  	_ =	shalt  }
0x65: {  	_ =	shalt  }
0x66: {  	_ =	shalt  }
0x67: {  	_ =	shalt  }
0x68: {  	_ =	shalt  }
0x69: {  	_ =	shalt  }
0x6a: {  	_ =	shalt  }
0x6b: {  	_ =	shalt  }
0x6c: {  	_ =	shalt  }
0x6d: {  	_ =	shalt  }
0x6e: {  	_ =	shalt  }
0x6f: {  	_ =	shalt  }
0x70: {  	_ =	shalt  }
0x71: {  	_ =	shalt  }
0x72: {  	_ =	shalt  }
0x73: {  	_ =	shalt  }
0x74: {  	_ =	shalt  }
0x75: {  	_ =	shalt  }
0x76: {  	_ =	shalt  }
0x77: {  	_ =	shalt  }
0x78: {  	_ =	shalt  }
0x79: {  	_ =	shalt  }
0x7a: {  	_ =	shalt  }
0x7b: {  	_ =	shalt  }
0x7c: {  	_ =	shalt  }
0x7d: {  	_ =	shalt  }
0x7e: {  	_ =	shalt  }
0x7f: {  	_ =	shalt  }
0x80: {  	_ =	shalt  }
0x81: {  	_ =	shalt  }
0x82: {  	_ =	shalt  }
0x83: {  	_ =	shalt  }
0x84: {  	_ =	shalt  }
0x85: {  	_ =	shalt  }
0x86: {  	_ =	shalt  }
0x87: {  	_ =	shalt  }
.Lfunc_end0:
.L_simem_size_0:
called_computation.1_lowered:
.L_overlay_start_0:
0x88: {  	s2 =	sld [smem:$0x3FD9]  }
0x89: {  	s3 =	sld [smem:$0x3FFE];
	_ =	sdelay $0x1  }
0x8a: {  	s1 =	srdreg.scid  }
0x8b: {  	s0 =	sand.u32 $0x1, s1  }
0x8c: {  	s17 =	sshll.u32 s0, $0xA;
	s2 =	sadd.s32 s3, s2  }
0x8d: {  	s2 =	sadd.s32 s2, s17  }
0x8e: {  	[smem:$0x3FC7] =	sst s2  }
0x8f: {  	_ = 	snop  }
0x90: {  	s2 =	sld [smem:$0x3FD0];
	(tm) =	ssettm $0x1  }
0x91: {  	s18 =	sld [smem:$0x3FFB];
	_ =	sdelay $0x3  }
0x92: {  	_ =	strace s18  }
0x93: {  	s3 =	sld [smem:$0x3FFC];
	_ =	sdelay $0x3  }
0x94: {  	_ =	strace s3  }
0x95: {  	s3 =	sld [smem:$0x3FFD];
	_ =	sdelay $0x3  }
0x96: {  	_ =	strace s3  }
0x97: {  	_ =	strace $0x8FFFFFFF  }
0x98: {  	s19 =	sld [smem:$0x3FDB];
	_ =	sdelay $0x1  }
0x99: {  	s4 =	simm.s32 $_scs_section_size  }
0x9a: {  	s5 =	simm.s32 $_size__tile_overlayer_lowered;
	s6 =	simm.s32 $_tile_overlayer_lowered  }
0x9b: {  	s22 =	simm.s32 $0x1BFF;
	s21 =	sshll.u32 s6, $0x1;
	s3 =	sadd.s32 s4, s19  }
0x9c: {  	s7 =	simm.s32 $0x0;
	s20 =	sshll.u32 s5, $0x1;
	s5 =	sadd.s32 s21, s3  }
0x9d: {  	[timem:s7], [sflag:s22] =	dma.local [hbm:s5], s20  }
0x9e: {  	_ =	swait.ge [sflag:s22], s20  }
0x9f: {  	s4 =	ssub.s32 $0x0, s20;
	[sflag:s22] =	ssyncset.done $0x0  }
0xa0: {  	[sflag:s22] =	ssyncadd.s32 s4;
	_ =	sdelay $0x1  }
0xa1: {  	s23 =	simm.s32 $0x1B8B  }
0xa2: {  	_ =	swait.ge [sflag:s23], $0x1  }
0xa3: {  	[sflag:s23] =	ssyncset.done $0x0  }
0xa4: {  	s25 =	simm.s32 $0x1B8E;
	s24 =	sld [smem:$0x3FFE];
	[sflag:s23] =	ssyncadd.s32 $0xFFFFFFFF  }
0xa5: {  	s26 =	simm.s32 $execute0_lowered;
	[smem:$0x3FD2] =	sst s25  }
0xa6: {  	s5 =	sshll.u32 s26, $0x1;
	_ =	strace $0x80000046;
	[dreg:$0x1] =	wrdreg $0xFFFFFFFF  }
0xa7: {  	s28 =	simm.s32 $_size_execute0_lowered;
	s3 =	sadd.s32 s3, s5;
	[dreg:$0x0] =	wrdreg $0x0  }
0xa8: {  	s5 =	sshll.u32 s28, $0x1;
	[dreg:$0x2] =	wrdreg s3  }
0xa9: {  	[dreg:$0x3] =	wrdreg s5  }
0xaa: {  	[dreg:$0x4] =	wrdreg $0xC0  }
0xab: {  	_ =	task [dreg:s7], $0x5FFFF  }
0xac: {  	[dreg:$0x1] =	wrdreg $0xFFFFFFFF  }
0xad: {  	[dreg:$0x0] =	wrdreg $0x60  }
0xae: {  	[dreg:$0x2] =	wrdreg s24  }
0xaf: {  	[dreg:$0x3] =	wrdreg s2  }
0xb0: {  	[dreg:$0x4] =	wrdreg $0x9  }
0xb1: {  	_ =	task.clear_ibuf [dreg:s7], $0x5FFFF;
	_ =	strace $0x90000046  }
0xb2: {  	s29 =	simm.s32 $0x9;
	_ =	strace $0x80000048  }
0xb3: {  	_ =	swait.ge [sflag:s29], $0x1  }
0xb4: {  	[sflag:s29] =	ssyncadd.s32 $0xFFFFFFFF  }
0xb5: {  	_ =	strace $0x90000048  }
0xb6: {  	_ =	sfence  }
0xb7: {  	s30 =	sld [smem:$0x0];
	_ =	sdelay $0x2  }
0xb8: {  	s31 =	sshll.u32 s1, $0xD;
	s1 =	sshrl.u32 s1, $0x2  }
0xb9: {  	s3 =	sand.u32 $0x4000, s31;
	s1 =	sadd.s32 s1, s30  }
0xba: {  	s0 =	sor.u32 s3, s0;
	s1 =	sshll.u32 s1, $0x11  }
0xbb: {  	s0 =	sor.u32 s1, s0  }
0xbc: {  	s0 =	sadd.s32 $0x8F2B, s0  }
0xbd: {  	[sflag:s0] =	ssyncadd.remote.s32 $0x1  }
0xbe: {  	_ =	sfence.sel $0xFFFF  }
0xbf: {  	[dreg:$0x0] =	wrdreg $0xFFFFFFFF;
	(pc) =	sbr.abs _section_cstart, $3  }
0xc0: {  	[dreg:$0x1] =	wrdreg $0xFFFFFFFF  }
0xc1: {  	_ =	task.clear_ibuf [dreg:s7], $0x2FFFF;
	_ =	strace $0x9FFFFFFF  }
0xc2: {  	(tm) =	ssettm $0x7FFFFFFF  }
0xc3: {  	_ =	shalt  }
tec
execute0_lowered:
.L_overlay_start_1:
0x0: {  	(tag) =	ssettag $0x1  }
0x1: {  	s1 =	rddreg [dreg:$0x0];
	s2 =	srdreg.scid  }
0x2: {  	s0 =	stileid.u32;
	s4 =	rddreg [dreg:$0x1]  }
0x3: {  	s3 =	simm.s32 $0x0;
	p0 =	por $0x0, $0x0;
	s30 =	simm.s32 $0x2  }
0x4: {  	s2 =	sand.u32 $0x1, s2;
	s5 =	sshll.u32 s0, $0x1;
	[smem:$0x7FF] =	sst s3  }
0x5: {  	s1 =	sadd.s32 $0x800, s1;
	s5 =	sor.u32 s2, s5;
	s2 =	ssub.s32 $0x2, s2  }
0x6: {  	_ =	strace $0x80000047;
	s6 =	smul.u32 $0x180600, s5;
	s26 =	sshrl.u32 s2, $0x1  }
0x7: {  	[dreg:$0x3] =	wrdreg s1;
	s5 =	smul.u32 $0x300C0, s5;
	s1 =	ssub.s32 s2, s26  }
0x8: {  	s2 =	simm.s32 $0x1;
	s6 =	sshrl.u32 s6, $0x3;
	s1 =	smax.u32 s1, $0x1  }
0x9: {  	s29 =	sadd.s32 s4, s6;
	s4 =	sadd.s32 s4, s5;
	p1 =	sne.s32 s1, $0x1  }
0xa: {  	s31 =	sadd.s32 $0xFFFFFFFF, s1;
	s1 =	rddreg [dreg:$0x3];
	s5 =	sadd.s32 $0x1EC0, s29  }
0xb: {  	s6 =	sadd.s32 $0x3D80, s29;
	s7 =	sadd.s32 $0x5C40, s29;
	s8 =	sadd.s32 $0x7B00, s29  }
0xc: {  	s9 =	sadd.s32 $0x99C0, s29;
	s10 =	sadd.s32 $0xB880, s29;
	s11 =	sadd.s32 $0xD740, s29  }
0xd: {  	s12 =	sadd.s32 $0xF600, s29;
	s13 =	sadd.s32 $0x114C0, s29;
	s14 =	sadd.s32 $0x13380, s29  }
.Ltmp0:
0xe: {  	s15 =	sadd.s32 $0x15240, s29;
	s16 =	sadd.s32 $0x17100, s29;
	(pc) =	sbr.rel @!p1 .LBB2_3-.Ltmp0, $4  }
0xf: {  	s17 =	sadd.s32 $0x18FC0, s29;
	s18 =	sadd.s32 $0x1AE80, s29;
	s19 =	sadd.s32 $0x1CD40, s29  }
0x10: {  	s20 =	sadd.s32 $0x1EC00, s29;
	s21 =	sadd.s32 $0x20AC0, s29;
	s22 =	sadd.s32 $0x22980, s29  }
0x11: {  	s23 =	sadd.s32 $0x24840, s29;
	s24 =	sadd.s32 $0x26700, s29;
	s25 =	sadd.s32 $0x285C0, s29  }
0x12: {  	s26 =	sadd.s32 $0x2A480, s29;
	s28 =	sadd.s32 $0x2C340, s29;
	s29 =	sadd.s32 $0x2E200, s29  }
0x13: {  	[tilespmem:s3], [sflag:$0x2] =	stream.linear.gather [hbm4b:s1+s3], $0xF600, $0x38;
	[tilespmem:$0xF600] =	vst v63  }
0x14: {  	_ =	swait.ge [sflag:s30], $0xF600  }
0x15: {  	[sflag:s30] =	ssyncset.done $0x0  }
0x16: {  	[sflag:s30] =	ssyncadd.s32 $0xFFFF0A00  }
0x17: {  	[hbm4b:s4+s3] =	stream.linear.scatter [tilespmem:s3], [sflag:$0x1], $0xF600, $0x38;
	[tilespmem:$0xF600] =	vst v63  }
0x18: {  	_ = 	snop  }
0x19: {  	[hbm4b:s5+s3] =	stream.linear.scatter [tilespmem:s3], [sflag:$0x1], $0xF600, $0x38;
	[tilespmem:$0xF600] =	vst v63  }
0x1a: {  	_ = 	snop  }
0x1b: {  	[hbm4b:s6+s3] =	stream.linear.scatter [tilespmem:s3], [sflag:$0x1], $0xF600, $0x38;
	[tilespmem:$0xF600] =	vst v63  }
0x1c: {  	_ = 	snop  }
0x1d: {  	[hbm4b:s7+s3] =	stream.linear.scatter [tilespmem:s3], [sflag:$0x1], $0xF600, $0x38;
	[tilespmem:$0xF600] =	vst v63  }
0x1e: {  	_ = 	snop  }
0x1f: {  	[hbm4b:s8+s3] =	stream.linear.scatter [tilespmem:s3], [sflag:$0x1], $0xF600, $0x38;
	[tilespmem:$0xF600] =	vst v63  }
0x20: {  	_ = 	snop  }
0x21: {  	[hbm4b:s9+s3] =	stream.linear.scatter [tilespmem:s3], [sflag:$0x1], $0xF600, $0x38;
	[tilespmem:$0xF600] =	vst v63  }
0x22: {  	_ = 	snop  }
0x23: {  	[hbm4b:s10+s3] =	stream.linear.scatter [tilespmem:s3], [sflag:$0x1], $0xF600, $0x38;
	[tilespmem:$0xF600] =	vst v63  }
0x24: {  	_ = 	snop  }
0x25: {  	[hbm4b:s11+s3] =	stream.linear.scatter [tilespmem:s3], [sflag:$0x1], $0xF600, $0x38;
	[tilespmem:$0xF600] =	vst v63  }
0x26: {  	_ = 	snop  }
0x27: {  	[hbm4b:s12+s3] =	stream.linear.scatter [tilespmem:s3], [sflag:$0x1], $0xF600, $0x38;
	[tilespmem:$0xF600] =	vst v63  }
0x28: {  	_ = 	snop  }
0x29: {  	[hbm4b:s13+s3] =	stream.linear.scatter [tilespmem:s3], [sflag:$0x1], $0xF600, $0x38;
	[tilespmem:$0xF600] =	vst v63  }
0x2a: {  	_ = 	snop  }
0x2b: {  	[hbm4b:s14+s3] =	stream.linear.scatter [tilespmem:s3], [sflag:$0x1], $0xF600, $0x38;
	[tilespmem:$0xF600] =	vst v63  }
0x2c: {  	_ = 	snop  }
0x2d: {  	[hbm4b:s15+s3] =	stream.linear.scatter [tilespmem:s3], [sflag:$0x1], $0xF600, $0x38;
	[tilespmem:$0xF600] =	vst v63  }
0x2e: {  	_ = 	snop  }
0x2f: {  	[hbm4b:s16+s3] =	stream.linear.scatter [tilespmem:s3], [sflag:$0x1], $0xF600, $0x38;
	[tilespmem:$0xF600] =	vst v63  }
0x30: {  	_ = 	snop  }
0x31: {  	[hbm4b:s17+s3] =	stream.linear.scatter [tilespmem:s3], [sflag:$0x1], $0xF600, $0x38;
	[tilespmem:$0xF600] =	vst v63  }
0x32: {  	_ = 	snop  }
0x33: {  	[hbm4b:s18+s3] =	stream.linear.scatter [tilespmem:s3], [sflag:$0x1], $0xF600, $0x38;
	[tilespmem:$0xF600] =	vst v63  }
0x34: {  	_ = 	snop  }
0x35: {  	[hbm4b:s19+s3] =	stream.linear.scatter [tilespmem:s3], [sflag:$0x1], $0xF600, $0x38;
	[tilespmem:$0xF600] =	vst v63  }
0x36: {  	_ = 	snop  }
0x37: {  	[hbm4b:s20+s3] =	stream.linear.scatter [tilespmem:s3], [sflag:$0x1], $0xF600, $0x38;
	[tilespmem:$0xF600] =	vst v63  }
0x38: {  	_ = 	snop  }
0x39: {  	[hbm4b:s21+s3] =	stream.linear.scatter [tilespmem:s3], [sflag:$0x1], $0xF600, $0x38;
	[tilespmem:$0xF600] =	vst v63  }
0x3a: {  	_ = 	snop  }
0x3b: {  	[hbm4b:s22+s3] =	stream.linear.scatter [tilespmem:s3], [sflag:$0x1], $0xF600, $0x38;
	[tilespmem:$0xF600] =	vst v63  }
0x3c: {  	_ = 	snop  }
0x3d: {  	[hbm4b:s23+s3] =	stream.linear.scatter [tilespmem:s3], [sflag:$0x1], $0xF600, $0x38;
	[tilespmem:$0xF600] =	vst v63  }
0x3e: {  	_ = 	snop  }
0x3f: {  	[hbm4b:s24+s3] =	stream.linear.scatter [tilespmem:s3], [sflag:$0x1], $0xF600, $0x38;
	[tilespmem:$0xF600] =	vst v63  }
0x40: {  	_ = 	snop  }
0x41: {  	[hbm4b:s25+s3] =	stream.linear.scatter [tilespmem:s3], [sflag:$0x1], $0xF600, $0x38;
	[tilespmem:$0xF600] =	vst v63  }
0x42: {  	_ = 	snop  }
0x43: {  	[hbm4b:s26+s3] =	stream.linear.scatter [tilespmem:s3], [sflag:$0x1], $0xF600, $0x38;
	[tilespmem:$0xF600] =	vst v63  }
0x44: {  	_ = 	snop  }
0x45: {  	[hbm4b:s28+s3] =	stream.linear.scatter [tilespmem:s3], [sflag:$0x1], $0xF600, $0x38;
	[tilespmem:$0xF600] =	vst v63  }
0x46: {  	_ = 	snop  }
0x47: {  	[hbm4b:s29+s3] =	stream.linear.scatter [tilespmem:s3], [sflag:$0x1], $0xF600, $0x38;
	[tilespmem:$0xF600] =	vst v63  }
0x48: {  	_ =	swait.ge [sflag:s2], $0xF600  }
0x49: {  	[sflag:s2] =	ssyncset.done $0x0  }
0x4a: {  	[sflag:s2] =	ssyncadd.s32 $0xFFFF0A00  }
0x4b: {  	_ =	swait.ge [sflag:s2], $0xF600  }
0x4c: {  	[sflag:s2] =	ssyncset.done $0x0  }
0x4d: {  	[sflag:s2] =	ssyncadd.s32 $0xFFFF0A00  }
0x4e: {  	_ =	swait.ge [sflag:s2], $0xF600  }
0x4f: {  	[sflag:s2] =	ssyncset.done $0x0  }
0x50: {  	[sflag:s2] =	ssyncadd.s32 $0xFFFF0A00  }
0x51: {  	_ =	swait.ge [sflag:s2], $0xF600  }
0x52: {  	[sflag:s2] =	ssyncset.done $0x0  }
0x53: {  	[sflag:s2] =	ssyncadd.s32 $0xFFFF0A00  }
0x54: {  	_ =	swait.ge [sflag:s2], $0xF600  }
0x55: {  	[sflag:s2] =	ssyncset.done $0x0  }
0x56: {  	[sflag:s2] =	ssyncadd.s32 $0xFFFF0A00  }
0x57: {  	_ =	swait.ge [sflag:s2], $0xF600  }
0x58: {  	[sflag:s2] =	ssyncset.done $0x0  }
0x59: {  	[sflag:s2] =	ssyncadd.s32 $0xFFFF0A00  }
0x5a: {  	_ =	swait.ge [sflag:s2], $0xF600  }
0x5b: {  	[sflag:s2] =	ssyncset.done $0x0  }
0x5c: {  	[sflag:s2] =	ssyncadd.s32 $0xFFFF0A00  }
0x5d: {  	_ =	swait.ge [sflag:s2], $0xF600  }
0x5e: {  	[sflag:s2] =	ssyncset.done $0x0  }
0x5f: {  	[sflag:s2] =	ssyncadd.s32 $0xFFFF0A00  }
0x60: {  	_ =	swait.ge [sflag:s2], $0xF600  }
0x61: {  	[sflag:s2] =	ssyncset.done $0x0  }
0x62: {  	[sflag:s2] =	ssyncadd.s32 $0xFFFF0A00  }
0x63: {  	_ =	swait.ge [sflag:s2], $0xF600  }
0x64: {  	[sflag:s2] =	ssyncset.done $0x0  }
0x65: {  	[sflag:s2] =	ssyncadd.s32 $0xFFFF0A00  }
0x66: {  	_ =	swait.ge [sflag:s2], $0xF600  }
0x67: {  	[sflag:s2] =	ssyncset.done $0x0  }
0x68: {  	[sflag:s2] =	ssyncadd.s32 $0xFFFF0A00  }
0x69: {  	_ =	swait.ge [sflag:s2], $0xF600  }
0x6a: {  	[sflag:s2] =	ssyncset.done $0x0  }
0x6b: {  	[sflag:s2] =	ssyncadd.s32 $0xFFFF0A00  }
0x6c: {  	_ =	swait.ge [sflag:s2], $0xF600  }
0x6d: {  	[sflag:s2] =	ssyncset.done $0x0  }
0x6e: {  	[sflag:s2] =	ssyncadd.s32 $0xFFFF0A00  }
0x6f: {  	_ =	swait.ge [sflag:s2], $0xF600  }
0x70: {  	[sflag:s2] =	ssyncset.done $0x0  }
0x71: {  	[sflag:s2] =	ssyncadd.s32 $0xFFFF0A00  }
0x72: {  	_ =	swait.ge [sflag:s2], $0xF600  }
0x73: {  	[sflag:s2] =	ssyncset.done $0x0  }
0x74: {  	[sflag:s2] =	ssyncadd.s32 $0xFFFF0A00  }
0x75: {  	_ =	swait.ge [sflag:s2], $0xF600  }
0x76: {  	[sflag:s2] =	ssyncset.done $0x0  }
0x77: {  	[sflag:s2] =	ssyncadd.s32 $0xFFFF0A00  }
0x78: {  	_ =	swait.ge [sflag:s2], $0xF600  }
0x79: {  	[sflag:s2] =	ssyncset.done $0x0  }
0x7a: {  	[sflag:s2] =	ssyncadd.s32 $0xFFFF0A00  }
0x7b: {  	_ =	swait.ge [sflag:s2], $0xF600  }
0x7c: {  	[sflag:s2] =	ssyncset.done $0x0  }
0x7d: {  	[sflag:s2] =	ssyncadd.s32 $0xFFFF0A00  }
0x7e: {  	_ =	swait.ge [sflag:s2], $0xF600  }
0x7f: {  	[sflag:s2] =	ssyncset.done $0x0  }
0x80: {  	[sflag:s2] =	ssyncadd.s32 $0xFFFF0A00  }
0x81: {  	_ =	swait.ge [sflag:s2], $0xF600  }
0x82: {  	[sflag:s2] =	ssyncset.done $0x0  }
0x83: {  	[sflag:s2] =	ssyncadd.s32 $0xFFFF0A00  }
0x84: {  	_ =	swait.ge [sflag:s2], $0xF600  }
0x85: {  	[sflag:s2] =	ssyncset.done $0x0  }
0x86: {  	[sflag:s2] =	ssyncadd.s32 $0xFFFF0A00  }
0x87: {  	_ =	swait.ge [sflag:s2], $0xF600  }
0x88: {  	[sflag:s2] =	ssyncset.done $0x0  }
0x89: {  	[sflag:s2] =	ssyncadd.s32 $0xFFFF0A00  }
0x8a: {  	_ =	swait.ge [sflag:s2], $0xF600  }
0x8b: {  	[sflag:s2] =	ssyncset.done $0x0  }
0x8c: {  	p1 =	sne.s32 s31, $0x1;
	[sflag:s2] =	ssyncadd.s32 $0xFFFF0A00  }
.Ltmp1:
0x8d: {  	_ =	swait.ge [sflag:s2], $0xF600;
	(pc) =	sbr.rel @!p1 .LBB2_3-.Ltmp1, $4  }
0x8e: {  	[sflag:s2] =	ssyncset.done $0x0  }
0x8f: {  	[sflag:s2] =	ssyncadd.s32 $0xFFFF0A00  }
0x90: {  	s31 =	sadd.s32 $0xFFFFFFFF, s31;
	_ =	swait.ge [sflag:s2], $0xF600  }
0x91: {  	p0 =	por $0x1, $0x1;
	s1 =	rddreg [dreg:$0x3];
	[sflag:s2] =	ssyncset.done $0x0  }
.LBB2_2:
0x92: {  	[sflag:s2] =	ssyncadd.s32 $0xFFFF0A00  }
0x93: {  	[tilespmem:s3], [sflag:$0x2] =	stream.linear.gather [hbm4b:s1+s3], $0xF600, $0x38;
	[tilespmem:$0xF600] =	vst v63  }
0x94: {  	_ =	swait.ge [sflag:s30], $0xF600  }
0x95: {  	[sflag:s30] =	ssyncset.done $0x0  }
0x96: {  	[sflag:s30] =	ssyncadd.s32 $0xFFFF0A00  }
0x97: {  	[hbm4b:s4+s3] =	stream.linear.scatter [tilespmem:s3], [sflag:$0x1], $0xF600, $0x38;
	[tilespmem:$0xF600] =	vst v63  }
0x98: {  	_ = 	snop  }
0x99: {  	[hbm4b:s5+s3] =	stream.linear.scatter [tilespmem:s3], [sflag:$0x1], $0xF600, $0x38;
	[tilespmem:$0xF600] =	vst v63  }
0x9a: {  	_ = 	snop  }
0x9b: {  	[hbm4b:s6+s3] =	stream.linear.scatter [tilespmem:s3], [sflag:$0x1], $0xF600, $0x38;
	[tilespmem:$0xF600] =	vst v63  }
0x9c: {  	_ = 	snop  }
0x9d: {  	[hbm4b:s7+s3] =	stream.linear.scatter [tilespmem:s3], [sflag:$0x1], $0xF600, $0x38;
	[tilespmem:$0xF600] =	vst v63  }
0x9e: {  	_ = 	snop  }
0x9f: {  	[hbm4b:s8+s3] =	stream.linear.scatter [tilespmem:s3], [sflag:$0x1], $0xF600, $0x38;
	[tilespmem:$0xF600] =	vst v63  }
0xa0: {  	_ = 	snop  }
0xa1: {  	[hbm4b:s9+s3] =	stream.linear.scatter [tilespmem:s3], [sflag:$0x1], $0xF600, $0x38;
	[tilespmem:$0xF600] =	vst v63  }
0xa2: {  	_ = 	snop  }
0xa3: {  	[hbm4b:s10+s3] =	stream.linear.scatter [tilespmem:s3], [sflag:$0x1], $0xF600, $0x38;
	[tilespmem:$0xF600] =	vst v63  }
0xa4: {  	_ = 	snop  }
0xa5: {  	[hbm4b:s11+s3] =	stream.linear.scatter [tilespmem:s3], [sflag:$0x1], $0xF600, $0x38;
	[tilespmem:$0xF600] =	vst v63  }
0xa6: {  	_ = 	snop  }
0xa7: {  	[hbm4b:s12+s3] =	stream.linear.scatter [tilespmem:s3], [sflag:$0x1], $0xF600, $0x38;
	[tilespmem:$0xF600] =	vst v63  }
0xa8: {  	_ = 	snop  }
0xa9: {  	[hbm4b:s13+s3] =	stream.linear.scatter [tilespmem:s3], [sflag:$0x1], $0xF600, $0x38;
	[tilespmem:$0xF600] =	vst v63  }
0xaa: {  	_ = 	snop  }
0xab: {  	[hbm4b:s14+s3] =	stream.linear.scatter [tilespmem:s3], [sflag:$0x1], $0xF600, $0x38;
	[tilespmem:$0xF600] =	vst v63  }
0xac: {  	_ = 	snop  }
0xad: {  	[hbm4b:s15+s3] =	stream.linear.scatter [tilespmem:s3], [sflag:$0x1], $0xF600, $0x38;
	[tilespmem:$0xF600] =	vst v63  }
0xae: {  	_ = 	snop  }
0xaf: {  	[hbm4b:s16+s3] =	stream.linear.scatter [tilespmem:s3], [sflag:$0x1], $0xF600, $0x38;
	[tilespmem:$0xF600] =	vst v63  }
0xb0: {  	_ = 	snop  }
0xb1: {  	[hbm4b:s17+s3] =	stream.linear.scatter [tilespmem:s3], [sflag:$0x1], $0xF600, $0x38;
	[tilespmem:$0xF600] =	vst v63  }
0xb2: {  	_ = 	snop  }
0xb3: {  	[hbm4b:s18+s3] =	stream.linear.scatter [tilespmem:s3], [sflag:$0x1], $0xF600, $0x38;
	[tilespmem:$0xF600] =	vst v63  }
0xb4: {  	_ = 	snop  }
0xb5: {  	[hbm4b:s19+s3] =	stream.linear.scatter [tilespmem:s3], [sflag:$0x1], $0xF600, $0x38;
	[tilespmem:$0xF600] =	vst v63  }
0xb6: {  	_ = 	snop  }
0xb7: {  	[hbm4b:s20+s3] =	stream.linear.scatter [tilespmem:s3], [sflag:$0x1], $0xF600, $0x38;
	[tilespmem:$0xF600] =	vst v63  }
0xb8: {  	_ = 	snop  }
0xb9: {  	[hbm4b:s21+s3] =	stream.linear.scatter [tilespmem:s3], [sflag:$0x1], $0xF600, $0x38;
	[tilespmem:$0xF600] =	vst v63  }
0xba: {  	_ = 	snop  }
0xbb: {  	[hbm4b:s22+s3] =	stream.linear.scatter [tilespmem:s3], [sflag:$0x1], $0xF600, $0x38;
	[tilespmem:$0xF600] =	vst v63  }
0xbc: {  	_ = 	snop  }
0xbd: {  	[hbm4b:s23+s3] =	stream.linear.scatter [tilespmem:s3], [sflag:$0x1], $0xF600, $0x38;
	[tilespmem:$0xF600] =	vst v63  }
0xbe: {  	_ = 	snop  }
0xbf: {  	[hbm4b:s24+s3] =	stream.linear.scatter [tilespmem:s3], [sflag:$0x1], $0xF600, $0x38;
	[tilespmem:$0xF600] =	vst v63  }
0xc0: {  	_ = 	snop  }
0xc1: {  	[hbm4b:s25+s3] =	stream.linear.scatter [tilespmem:s3], [sflag:$0x1], $0xF600, $0x38;
	[tilespmem:$0xF600] =	vst v63  }
0xc2: {  	_ = 	snop  }
0xc3: {  	[hbm4b:s26+s3] =	stream.linear.scatter [tilespmem:s3], [sflag:$0x1], $0xF600, $0x38;
	[tilespmem:$0xF600] =	vst v63  }
0xc4: {  	_ = 	snop  }
0xc5: {  	[hbm4b:s28+s3] =	stream.linear.scatter [tilespmem:s3], [sflag:$0x1], $0xF600, $0x38;
	[tilespmem:$0xF600] =	vst v63  }
0xc6: {  	_ = 	snop  }
0xc7: {  	[hbm4b:s29+s3] =	stream.linear.scatter [tilespmem:s3], [sflag:$0x1], $0xF600, $0x38;
	[tilespmem:$0xF600] =	vst v63  }
0xc8: {  	_ =	swait.ge [sflag:s2], $0xF600  }
0xc9: {  	[sflag:s2] =	ssyncset.done $0x0  }
0xca: {  	[sflag:s2] =	ssyncadd.s32 $0xFFFF0A00  }
0xcb: {  	_ =	swait.ge [sflag:s2], $0xF600  }
0xcc: {  	[sflag:s2] =	ssyncset.done $0x0  }
0xcd: {  	[sflag:s2] =	ssyncadd.s32 $0xFFFF0A00  }
0xce: {  	_ =	swait.ge [sflag:s2], $0xF600  }
0xcf: {  	[sflag:s2] =	ssyncset.done $0x0  }
0xd0: {  	[sflag:s2] =	ssyncadd.s32 $0xFFFF0A00  }
0xd1: {  	_ =	swait.ge [sflag:s2], $0xF600  }
0xd2: {  	[sflag:s2] =	ssyncset.done $0x0  }
0xd3: {  	[sflag:s2] =	ssyncadd.s32 $0xFFFF0A00  }
0xd4: {  	_ =	swait.ge [sflag:s2], $0xF600  }
0xd5: {  	[sflag:s2] =	ssyncset.done $0x0  }
0xd6: {  	[sflag:s2] =	ssyncadd.s32 $0xFFFF0A00  }
0xd7: {  	_ =	swait.ge [sflag:s2], $0xF600  }
0xd8: {  	[sflag:s2] =	ssyncset.done $0x0  }
0xd9: {  	[sflag:s2] =	ssyncadd.s32 $0xFFFF0A00  }
0xda: {  	_ =	swait.ge [sflag:s2], $0xF600  }
0xdb: {  	[sflag:s2] =	ssyncset.done $0x0  }
0xdc: {  	[sflag:s2] =	ssyncadd.s32 $0xFFFF0A00  }
0xdd: {  	_ =	swait.ge [sflag:s2], $0xF600  }
0xde: {  	[sflag:s2] =	ssyncset.done $0x0  }
0xdf: {  	[sflag:s2] =	ssyncadd.s32 $0xFFFF0A00  }
0xe0: {  	_ =	swait.ge [sflag:s2], $0xF600  }
0xe1: {  	[sflag:s2] =	ssyncset.done $0x0  }
0xe2: {  	[sflag:s2] =	ssyncadd.s32 $0xFFFF0A00  }
0xe3: {  	_ =	swait.ge [sflag:s2], $0xF600  }
0xe4: {  	[sflag:s2] =	ssyncset.done $0x0  }
0xe5: {  	[sflag:s2] =	ssyncadd.s32 $0xFFFF0A00  }
0xe6: {  	_ =	swait.ge [sflag:s2], $0xF600  }
0xe7: {  	[sflag:s2] =	ssyncset.done $0x0  }
0xe8: {  	[sflag:s2] =	ssyncadd.s32 $0xFFFF0A00  }
0xe9: {  	_ =	swait.ge [sflag:s2], $0xF600  }
0xea: {  	[sflag:s2] =	ssyncset.done $0x0  }
0xeb: {  	[sflag:s2] =	ssyncadd.s32 $0xFFFF0A00  }
0xec: {  	_ =	swait.ge [sflag:s2], $0xF600  }
0xed: {  	[sflag:s2] =	ssyncset.done $0x0  }
0xee: {  	[sflag:s2] =	ssyncadd.s32 $0xFFFF0A00  }
0xef: {  	_ =	swait.ge [sflag:s2], $0xF600  }
0xf0: {  	[sflag:s2] =	ssyncset.done $0x0  }
0xf1: {  	[sflag:s2] =	ssyncadd.s32 $0xFFFF0A00  }
0xf2: {  	_ =	swait.ge [sflag:s2], $0xF600  }
0xf3: {  	[sflag:s2] =	ssyncset.done $0x0  }
0xf4: {  	[sflag:s2] =	ssyncadd.s32 $0xFFFF0A00  }
0xf5: {  	_ =	swait.ge [sflag:s2], $0xF600  }
0xf6: {  	[sflag:s2] =	ssyncset.done $0x0  }
0xf7: {  	[sflag:s2] =	ssyncadd.s32 $0xFFFF0A00  }
0xf8: {  	_ =	swait.ge [sflag:s2], $0xF600  }
0xf9: {  	[sflag:s2] =	ssyncset.done $0x0  }
0xfa: {  	[sflag:s2] =	ssyncadd.s32 $0xFFFF0A00  }
0xfb: {  	_ =	swait.ge [sflag:s2], $0xF600  }
0xfc: {  	[sflag:s2] =	ssyncset.done $0x0  }
0xfd: {  	[sflag:s2] =	ssyncadd.s32 $0xFFFF0A00  }
0xfe: {  	_ =	swait.ge [sflag:s2], $0xF600  }
0xff: {  	[sflag:s2] =	ssyncset.done $0x0  }
0x100: {  	[sflag:s2] =	ssyncadd.s32 $0xFFFF0A00  }
0x101: {  	_ =	swait.ge [sflag:s2], $0xF600  }
0x102: {  	[sflag:s2] =	ssyncset.done $0x0  }
0x103: {  	[sflag:s2] =	ssyncadd.s32 $0xFFFF0A00  }
0x104: {  	_ =	swait.ge [sflag:s2], $0xF600  }
0x105: {  	[sflag:s2] =	ssyncset.done $0x0  }
0x106: {  	[sflag:s2] =	ssyncadd.s32 $0xFFFF0A00  }
0x107: {  	_ =	swait.ge [sflag:s2], $0xF600  }
0x108: {  	[sflag:s2] =	ssyncset.done $0x0  }
0x109: {  	[sflag:s2] =	ssyncadd.s32 $0xFFFF0A00  }
0x10a: {  	_ =	swait.ge [sflag:s2], $0xF600  }
0x10b: {  	[sflag:s2] =	ssyncset.done $0x0  }
0x10c: {  	p1 =	sne.s32 s31, $0x1;
	[sflag:s2] =	ssyncadd.s32 $0xFFFF0A00  }
.Ltmp2:
0x10d: {  	_ =	swait.ge [sflag:s2], $0xF600;
	(pc) =	sbr.rel @p1 .LBB2_2-.Ltmp2, $4  }
0x10e: {  	[sflag:s2] =	ssyncset.done $0x0  }
0x10f: {  	[sflag:s2] =	ssyncadd.s32 $0xFFFF0A00  }
0x110: {  	_ =	swait.ge [sflag:s2], $0xF600  }
0x111: {  	s31 =	sadd.s32 $0xFFFFFFFF, s31;
	s1 =	rddreg [dreg:$0x3];
	[sflag:s2] =	ssyncset.done $0x0  }
.LBB2_3:
0x112: {  	[sflag:s2] =	ssyncadd.s32 @p0 $0xFFFF0A00  }
0x113: {  	[tilespmem:s3], [sflag:$0x2] =	stream.linear.gather [hbm4b:s1+s3], $0xF600, $0x38;
	[tilespmem:$0xF600] =	vst v63  }
0x114: {  	_ =	swait.ge [sflag:s30], $0xF600  }
0x115: {  	[sflag:s30] =	ssyncset.done $0x0  }
0x116: {  	[sflag:s30] =	ssyncadd.s32 $0xFFFF0A00  }
0x117: {  	[hbm4b:s4+s3] =	stream.linear.scatter [tilespmem:s3], [sflag:$0x1], $0xF600, $0x38;
	[tilespmem:$0xF600] =	vst v63  }
0x118: {  	_ = 	snop  }
0x119: {  	[hbm4b:s5+s3] =	stream.linear.scatter [tilespmem:s3], [sflag:$0x1], $0xF600, $0x38;
	[tilespmem:$0xF600] =	vst v63  }
0x11a: {  	_ = 	snop  }
0x11b: {  	[hbm4b:s6+s3] =	stream.linear.scatter [tilespmem:s3], [sflag:$0x1], $0xF600, $0x38;
	[tilespmem:$0xF600] =	vst v63  }
0x11c: {  	_ = 	snop  }
0x11d: {  	[hbm4b:s7+s3] =	stream.linear.scatter [tilespmem:s3], [sflag:$0x1], $0xF600, $0x38;
	[tilespmem:$0xF600] =	vst v63  }
0x11e: {  	_ = 	snop  }
0x11f: {  	[hbm4b:s8+s3] =	stream.linear.scatter [tilespmem:s3], [sflag:$0x1], $0xF600, $0x38;
	[tilespmem:$0xF600] =	vst v63  }
0x120: {  	_ = 	snop  }
0x121: {  	[hbm4b:s9+s3] =	stream.linear.scatter [tilespmem:s3], [sflag:$0x1], $0xF600, $0x38;
	[tilespmem:$0xF600] =	vst v63  }
0x122: {  	_ = 	snop  }
0x123: {  	[hbm4b:s10+s3] =	stream.linear.scatter [tilespmem:s3], [sflag:$0x1], $0xF600, $0x38;
	[tilespmem:$0xF600] =	vst v63  }
0x124: {  	_ = 	snop  }
0x125: {  	[hbm4b:s11+s3] =	stream.linear.scatter [tilespmem:s3], [sflag:$0x1], $0xF600, $0x38;
	[tilespmem:$0xF600] =	vst v63  }
0x126: {  	_ = 	snop  }
0x127: {  	[hbm4b:s12+s3] =	stream.linear.scatter [tilespmem:s3], [sflag:$0x1], $0xF600, $0x38;
	[tilespmem:$0xF600] =	vst v63  }
0x128: {  	_ = 	snop  }
0x129: {  	[hbm4b:s13+s3] =	stream.linear.scatter [tilespmem:s3], [sflag:$0x1], $0xF600, $0x38;
	[tilespmem:$0xF600] =	vst v63  }
0x12a: {  	_ = 	snop  }
0x12b: {  	[hbm4b:s14+s3] =	stream.linear.scatter [tilespmem:s3], [sflag:$0x1], $0xF600, $0x38;
	[tilespmem:$0xF600] =	vst v63  }
0x12c: {  	_ = 	snop  }
0x12d: {  	[hbm4b:s15+s3] =	stream.linear.scatter [tilespmem:s3], [sflag:$0x1], $0xF600, $0x38;
	[tilespmem:$0xF600] =	vst v63  }
0x12e: {  	_ = 	snop  }
0x12f: {  	[hbm4b:s16+s3] =	stream.linear.scatter [tilespmem:s3], [sflag:$0x1], $0xF600, $0x38;
	[tilespmem:$0xF600] =	vst v63  }
0x130: {  	_ = 	snop  }
0x131: {  	[hbm4b:s17+s3] =	stream.linear.scatter [tilespmem:s3], [sflag:$0x1], $0xF600, $0x38;
	[tilespmem:$0xF600] =	vst v63  }
0x132: {  	_ = 	snop  }
0x133: {  	[hbm4b:s18+s3] =	stream.linear.scatter [tilespmem:s3], [sflag:$0x1], $0xF600, $0x38;
	[tilespmem:$0xF600] =	vst v63  }
0x134: {  	_ = 	snop  }
0x135: {  	[hbm4b:s19+s3] =	stream.linear.scatter [tilespmem:s3], [sflag:$0x1], $0xF600, $0x38;
	[tilespmem:$0xF600] =	vst v63  }
0x136: {  	_ = 	snop  }
0x137: {  	[hbm4b:s20+s3] =	stream.linear.scatter [tilespmem:s3], [sflag:$0x1], $0xF600, $0x38;
	[tilespmem:$0xF600] =	vst v63  }
0x138: {  	_ = 	snop  }
0x139: {  	[hbm4b:s21+s3] =	stream.linear.scatter [tilespmem:s3], [sflag:$0x1], $0xF600, $0x38;
	[tilespmem:$0xF600] =	vst v63  }
0x13a: {  	_ = 	snop  }
0x13b: {  	[hbm4b:s22+s3] =	stream.linear.scatter [tilespmem:s3], [sflag:$0x1], $0xF600, $0x38;
	[tilespmem:$0xF600] =	vst v63  }
0x13c: {  	_ = 	snop  }
0x13d: {  	[hbm4b:s23+s3] =	stream.linear.scatter [tilespmem:s3], [sflag:$0x1], $0xF600, $0x38;
	[tilespmem:$0xF600] =	vst v63  }
0x13e: {  	_ = 	snop  }
0x13f: {  	[hbm4b:s24+s3] =	stream.linear.scatter [tilespmem:s3], [sflag:$0x1], $0xF600, $0x38;
	[tilespmem:$0xF600] =	vst v63  }
0x140: {  	_ = 	snop  }
0x141: {  	[hbm4b:s25+s3] =	stream.linear.scatter [tilespmem:s3], [sflag:$0x1], $0xF600, $0x38;
	[tilespmem:$0xF600] =	vst v63  }
0x142: {  	_ = 	snop  }
0x143: {  	[hbm4b:s26+s3] =	stream.linear.scatter [tilespmem:s3], [sflag:$0x1], $0xF600, $0x38;
	[tilespmem:$0xF600] =	vst v63  }
0x144: {  	_ = 	snop  }
0x145: {  	[hbm4b:s28+s3] =	stream.linear.scatter [tilespmem:s3], [sflag:$0x1], $0xF600, $0x38;
	[tilespmem:$0xF600] =	vst v63  }
0x146: {  	_ = 	snop  }
0x147: {  	[hbm4b:s29+s3] =	stream.linear.scatter [tilespmem:s3], [sflag:$0x1], $0xF600, $0x38;
	[tilespmem:$0xF600] =	vst v63  }
0x148: {  	_ =	swait.ge [sflag:s2], $0xF600  }
0x149: {  	[sflag:s2] =	ssyncset.done $0x0  }
0x14a: {  	[sflag:s2] =	ssyncadd.s32 $0xFFFF0A00  }
0x14b: {  	_ =	swait.ge [sflag:s2], $0xF600  }
0x14c: {  	[sflag:s2] =	ssyncset.done $0x0  }
0x14d: {  	[sflag:s2] =	ssyncadd.s32 $0xFFFF0A00  }
0x14e: {  	_ =	swait.ge [sflag:s2], $0xF600  }
0x14f: {  	[sflag:s2] =	ssyncset.done $0x0  }
0x150: {  	[sflag:s2] =	ssyncadd.s32 $0xFFFF0A00  }
0x151: {  	_ =	swait.ge [sflag:s2], $0xF600  }
0x152: {  	[sflag:s2] =	ssyncset.done $0x0  }
0x153: {  	[sflag:s2] =	ssyncadd.s32 $0xFFFF0A00  }
0x154: {  	_ =	swait.ge [sflag:s2], $0xF600  }
0x155: {  	[sflag:s2] =	ssyncset.done $0x0  }
0x156: {  	[sflag:s2] =	ssyncadd.s32 $0xFFFF0A00  }
0x157: {  	_ =	swait.ge [sflag:s2], $0xF600  }
0x158: {  	[sflag:s2] =	ssyncset.done $0x0  }
0x159: {  	[sflag:s2] =	ssyncadd.s32 $0xFFFF0A00  }
0x15a: {  	_ =	swait.ge [sflag:s2], $0xF600  }
0x15b: {  	[sflag:s2] =	ssyncset.done $0x0  }
0x15c: {  	[sflag:s2] =	ssyncadd.s32 $0xFFFF0A00  }
0x15d: {  	_ =	swait.ge [sflag:s2], $0xF600  }
0x15e: {  	[sflag:s2] =	ssyncset.done $0x0  }
0x15f: {  	[sflag:s2] =	ssyncadd.s32 $0xFFFF0A00  }
0x160: {  	_ =	swait.ge [sflag:s2], $0xF600  }
0x161: {  	[sflag:s2] =	ssyncset.done $0x0  }
0x162: {  	[sflag:s2] =	ssyncadd.s32 $0xFFFF0A00  }
0x163: {  	_ =	swait.ge [sflag:s2], $0xF600  }
0x164: {  	[sflag:s2] =	ssyncset.done $0x0  }
0x165: {  	[sflag:s2] =	ssyncadd.s32 $0xFFFF0A00  }
0x166: {  	_ =	swait.ge [sflag:s2], $0xF600  }
0x167: {  	[sflag:s2] =	ssyncset.done $0x0  }
0x168: {  	[sflag:s2] =	ssyncadd.s32 $0xFFFF0A00  }
0x169: {  	_ =	swait.ge [sflag:s2], $0xF600  }
0x16a: {  	[sflag:s2] =	ssyncset.done $0x0  }
0x16b: {  	[sflag:s2] =	ssyncadd.s32 $0xFFFF0A00  }
0x16c: {  	_ =	swait.ge [sflag:s2], $0xF600  }
0x16d: {  	[sflag:s2] =	ssyncset.done $0x0  }
0x16e: {  	[sflag:s2] =	ssyncadd.s32 $0xFFFF0A00  }
0x16f: {  	_ =	swait.ge [sflag:s2], $0xF600  }
0x170: {  	[sflag:s2] =	ssyncset.done $0x0  }
0x171: {  	[sflag:s2] =	ssyncadd.s32 $0xFFFF0A00  }
0x172: {  	_ =	swait.ge [sflag:s2], $0xF600  }
0x173: {  	[sflag:s2] =	ssyncset.done $0x0  }
0x174: {  	[sflag:s2] =	ssyncadd.s32 $0xFFFF0A00  }
0x175: {  	_ =	swait.ge [sflag:s2], $0xF600  }
0x176: {  	[sflag:s2] =	ssyncset.done $0x0  }
0x177: {  	[sflag:s2] =	ssyncadd.s32 $0xFFFF0A00  }
0x178: {  	_ =	swait.ge [sflag:s2], $0xF600  }
0x179: {  	[sflag:s2] =	ssyncset.done $0x0  }
0x17a: {  	[sflag:s2] =	ssyncadd.s32 $0xFFFF0A00  }
0x17b: {  	_ =	swait.ge [sflag:s2], $0xF600  }
0x17c: {  	[sflag:s2] =	ssyncset.done $0x0  }
0x17d: {  	[sflag:s2] =	ssyncadd.s32 $0xFFFF0A00  }
0x17e: {  	_ =	swait.ge [sflag:s2], $0xF600  }
0x17f: {  	[sflag:s2] =	ssyncset.done $0x0  }
0x180: {  	[sflag:s2] =	ssyncadd.s32 $0xFFFF0A00  }
0x181: {  	_ =	swait.ge [sflag:s2], $0xF600  }
0x182: {  	[sflag:s2] =	ssyncset.done $0x0  }
0x183: {  	[sflag:s2] =	ssyncadd.s32 $0xFFFF0A00  }
0x184: {  	_ =	swait.ge [sflag:s2], $0xF600  }
0x185: {  	[sflag:s2] =	ssyncset.done $0x0  }
0x186: {  	[sflag:s2] =	ssyncadd.s32 $0xFFFF0A00  }
0x187: {  	_ =	swait.ge [sflag:s2], $0xF600  }
0x188: {  	[sflag:s2] =	ssyncset.done $0x0  }
0x189: {  	[sflag:s2] =	ssyncadd.s32 $0xFFFF0A00  }
0x18a: {  	_ =	swait.ge [sflag:s2], $0xF600  }
0x18b: {  	[sflag:s2] =	ssyncset.done $0x0  }
0x18c: {  	[sflag:s2] =	ssyncadd.s32 $0xFFFF0A00  }
0x18d: {  	_ =	swait.ge [sflag:s2], $0xF600  }
0x18e: {  	[sflag:s2] =	ssyncset.done $0x0  }
0x18f: {  	[sflag:s2] =	ssyncadd.s32 $0xFFFF0A00  }
0x190: {  	_ =	swait.ge [sflag:s2], $0xF600  }
0x191: {  	[sflag:s2] =	ssyncset.done $0x0  }
0x192: {  	[sflag:s2] =	ssyncadd.s32 $0xFFFF0A00  }
0x193: {  	_ =	sfence.sel $0x180000  }
0x194: {  	[bflag:$0x0] =	sbarrier.arrive $0xFFFF  }
0x195: {  	_ =	strace $0x90000047  }
0x196: {  	[bflag:$0x2] =	sbarrier.arrive $0xFFFF  }
0x197: {  	p0 =	sne.s32 s0, $0x0;
	s0 =	rddreg [dreg:$0x2]  }
0x198: {  	s0 =	sadd.s32 @!p0 $0x100000, s0  }
0x199: {  	[sflag:s0] =	ssyncadd.tile.s32 @!p0 $0x1;
	_ =	shalt  }
.Lfunc_end2:
_tile_overlayer_lowered:
.L_overlay_start_2:
0x19a: {  	(tag) =	ssettag $0x2  }
0x19b: {  	s0 =	rddreg [dreg:$0x0];
	s2 =	stileid.u32  }
0x19c: {  	s1 =	rddreg [dreg:$0x1];
	p0 =	sne.s32 s2, $0x0  }
0x19d: {  	s3 =	rddreg [dreg:$0x2];
	[bflag:$0x3] =	sbarrier.arrive $0xFFFF;
	s2 =	simm.s32 @!p0 $0x1C02  }
0x19e: {  	[timem:s3], [sflag:s2] =	dma.local @!p0 [hbm:s0], s1  }
0x19f: {  	s0 =	simm.s32 @!p0 $0x2  }
0x1a0: {  	_ =	swait.ge @!p0 [sflag:s0], s1  }
0x1a1: {  	s1 =	ssub.s32 @!p0 $0x0, s1;
	[sflag:s0] =	ssyncset.done @!p0 $0x0  }
0x1a2: {  	[sflag:s0] =	ssyncadd.s32 @!p0 s1  }
0x1a3: {  	[bflag:$0x3] =	sbarrier.arrive $0xFFFF  }
0x1a4: {  	_ =	shalt  }

// kernel: sparse-core-data-format-call.cloned.1.call-start
scs
called_computation_lowered:
.L_overlay_start_0:
0x0: {  	s2 =	sld [smem:$0x3FD9]  }
0x1: {  	s3 =	sld [smem:$0x3FFE];
	_ =	sdelay $0x1  }
0x2: {  	s1 =	srdreg.scid  }
0x3: {  	s0 =	sand.u32 $0x1, s1  }
0x4: {  	s18 =	sshll.u32 s0, $0xA;
	s2 =	sadd.s32 s3, s2  }
0x5: {  	s2 =	sadd.s32 s2, s18  }
0x6: {  	[smem:$0x3FC7] =	sst s2  }
0x7: {  	_ = 	snop  }
0x8: {  	s2 =	sld [smem:$0x3FD0];
	(tm) =	ssettm $0x1  }
0x9: {  	s19 =	sld [smem:$0x3FFB];
	_ =	sdelay $0x3  }
0xa: {  	_ =	strace s19  }
0xb: {  	s3 =	sld [smem:$0x3FFC];
	_ =	sdelay $0x3  }
0xc: {  	_ =	strace s3  }
0xd: {  	s3 =	sld [smem:$0x3FFD];
	_ =	sdelay $0x3  }
0xe: {  	_ =	strace s3  }
0xf: {  	_ =	strace $0x8FFFFFFF  }
0x10: {  	s20 =	sld [smem:$0x3FDB];
	_ =	sdelay $0x1  }
0x11: {  	s4 =	simm.s32 $_scs_section_size  }
0x12: {  	s5 =	simm.s32 $_size__tile_overlayer_lowered;
	s6 =	simm.s32 $_tile_overlayer_lowered  }
0x13: {  	s23 =	simm.s32 $0x1BFF;
	s22 =	sshll.u32 s6, $0x1;
	s3 =	sadd.s32 s4, s20  }
0x14: {  	s7 =	simm.s32 $0x0;
	s21 =	sshll.u32 s5, $0x1;
	s5 =	sadd.s32 s22, s3  }
0x15: {  	[timem:s7], [sflag:s23] =	dma.local [hbm:s5], s21  }
0x16: {  	_ =	swait.ge [sflag:s23], s21  }
0x17: {  	s4 =	ssub.s32 $0x0, s21;
	[sflag:s23] =	ssyncset.done $0x0  }
0x18: {  	[sflag:s23] =	ssyncadd.s32 s4;
	_ =	sdelay $0x1  }
0x19: {  	s24 =	simm.s32 $0x1B8B  }
0x1a: {  	_ =	swait.ge [sflag:s24], $0x1  }
0x1b: {  	[sflag:s24] =	ssyncset.done $0x0  }
0x1c: {  	s26 =	simm.s32 $0x1B8E;
	s25 =	sld [smem:$0x3FFE];
	[sflag:s24] =	ssyncadd.s32 $0xFFFFFFFF  }
0x1d: {  	s27 =	simm.s32 $execute0_lowered;
	[smem:$0x3FD2] =	sst s26  }
0x1e: {  	s5 =	sshll.u32 s27, $0x1;
	_ =	strace $0x80000049;
	[dreg:$0x1] =	wrdreg $0xFFFFFFFF  }
0x1f: {  	s28 =	simm.s32 $_size_execute0_lowered;
	s3 =	sadd.s32 s3, s5;
	[dreg:$0x0] =	wrdreg $0x0  }
0x20: {  	s5 =	sshll.u32 s28, $0x1;
	[dreg:$0x2] =	wrdreg s3  }
0x21: {  	[dreg:$0x3] =	wrdreg s5  }
0x22: {  	[dreg:$0x4] =	wrdreg $0xC0  }
0x23: {  	_ =	task [dreg:s7], $0x5FFFF  }
0x24: {  	[dreg:$0x1] =	wrdreg $0xFFFFFFFF  }
0x25: {  	[dreg:$0x0] =	wrdreg $0x60  }
0x26: {  	[dreg:$0x2] =	wrdreg s25  }
0x27: {  	[dreg:$0x3] =	wrdreg s2  }
0x28: {  	[dreg:$0x4] =	wrdreg $0x9  }
0x29: {  	_ =	task.clear_ibuf [dreg:s7], $0x5FFFF;
	_ =	strace $0x90000049  }
0x2a: {  	s29 =	simm.s32 $0x9;
	_ =	strace $0x8000004B  }
0x2b: {  	_ =	swait.ge [sflag:s29], $0x1  }
0x2c: {  	[sflag:s29] =	ssyncadd.s32 $0xFFFFFFFF  }
0x2d: {  	_ =	strace $0x9000004B  }
0x2e: {  	_ =	sfence  }
0x2f: {  	s30 =	sld [smem:$0x0];
	_ =	sdelay $0x2  }
0x30: {  	s31 =	sshll.u32 s1, $0xD;
	s1 =	sshrl.u32 s1, $0x2  }
0x31: {  	s3 =	sand.u32 $0x4000, s31;
	s1 =	sadd.s32 s1, s30  }
0x32: {  	s0 =	sor.u32 s3, s0;
	s1 =	sshll.u32 s1, $0x11  }
0x33: {  	s0 =	sor.u32 s1, s0  }
0x34: {  	s0 =	sadd.s32 $0x8F2B, s0  }
0x35: {  	[sflag:s0] =	ssyncadd.remote.s32 $0x1  }
0x36: {  	_ =	sfence.sel $0xFFFF  }
0x37: {  	[dreg:$0x0] =	wrdreg $0xFFFFFFFF;
	(pc) =	sbr.abs _section_cstart, $3  }
0x38: {  	[dreg:$0x1] =	wrdreg $0xFFFFFFFF  }
0x39: {  	_ =	task.clear_ibuf [dreg:s7], $0x2FFFF;
	_ =	strace $0x9FFFFFFF  }
0x3a: {  	(tm) =	ssettm $0x7FFFFFFF  }
0x3b: {  	_ =	shalt  }
tec
execute0_lowered:
.L_overlay_start_1:
0x0: {  	(tag) =	ssettag $0x1  }
0x1: {  	s0 =	srdreg.scid;
	s5 =	rddreg [dreg:$0x0]  }
0x2: {  	s2 =	rddreg [dreg:$0x1];
	s4 =	simm.s32 $0x1;
	s7 =	simm.s32 $0x2  }
0x3: {  	s16 =	simm.s32 $0x0;
	s18 =	simm.s32 $0x0;
	s1 =	sshll.u32 s0, $0x4  }
0x4: {  	s17 =	simm.s32 $0x0;
	s0 =	stileid.u32;
	s1 =	sand.u32 $0x10, s1  }
0x5: {  	s9 =	simm.s32 $0x0;
	s10 =	simm.s32 $0x0;
	s1 =	sor.u32 s0, s1  }
0x6: {  	s12 =	simm.s32 $0x0;
	s11 =	simm.s32 $0x0;
	s3 =	sshll.u32 s1, $0x1  }
.Ltmp0:
0x7: {  	s14 =	simm.s32 $0x0;
	s6 =	ssub.s32 $0x400, s3;
	(pc) =	sbr.rel .LBB1_1-.Ltmp0, $4  }
0x8: {  	s1 =	rddreg [dreg:$0x2];
	_ =	strace $0x8000004A;
	s6 =	sshrl.u32 s6, $0x6  }
0x9: {  	s15 =	simm.s32 $0x0;
	[sflag:s4] =	ssyncpa.u1 $0x0;
	s8 =	smul.u32 $0x6, s6  }
0xa: {  	s5 =	sadd.s32 $0x800, s5;
	s13 =	smov.u32 s3;
	[sflag:s7] =	ssyncpa.u1 $0x0  }
0xb: {  	s6 =	sadd.s32 $0x6, s8;
	s7 =	sadd.s32 $0x7, s8;
	s8 =	simm.s32 $0x1800  }
.LBB1_7:
0xc: {  	p0 =	slt.u32 s15, $0x2  }
0xd: {  	p1 =	sgt.s32 @!p0 s18, $0x3FF  }
0xe: {  	s19 =	smov.u32 s18;
	s20 =	sshra.s32 @!p0 s18, $0x1F;
	p1 =	por !p1, p0  }
0xf: {  	s18 =	sand.u32 @!p0 s20, s18;
	s19 =	simm.s32 @p1 $0x3FF  }
0x10: {  	p2 =	sgt.s32 @!p0 s16, $0x280;
	s18 =	ssub.s32 @!p0 s19, s18  }
0x11: {  	p2 =	por !p2, p0;
	s20 =	sshra.s32 @!p0 s16, $0x1F;
	s19 =	sadd.s32 @!p0 $0xFFFFFC01, s18  }
0x12: {  	s18 =	ssub.s32 @!p0 $0x401, s18;
	p1 =	sgt.s32 @!p0 s19, $0x1;
	s19 =	ssub.s32 @!p0 $0x0, s17  }
0x13: {  	p1 =	por !p1, p0;
	s17 =	smin.u32 @!p0 s17, s19;
	s19 =	smov.u32 s16  }
0x14: {  	s16 =	sand.u32 @!p0 s20, s16;
	s20 =	smov.u32 s13;
	s19 =	simm.s32 @p2 $0x280  }
0x15: {  	p2 =	sgt.s32 @!p0 s17, $0x3F;
	s17 =	ssub.s32 @!p0 $0x40, s17;
	s16 =	ssub.s32 @!p0 s19, s16  }
0x16: {  	s18 =	simm.s32 @!p1 $0x0;
	p2 =	por !p2, p0;
	s19 =	sadd.s32 @!p0 $0xFFFFFD80, s16  }
0x17: {  	s17 =	simm.s32 @!p2 $0x0;
	s16 =	ssub.s32 @!p0 $0x300, s16;
	p1 =	sgt.s32 @!p0 s19, $0x7F  }
0x18: {  	s17 =	smul.u32 @!p0 s17, s18;
	s19 =	sadd.s32 $0x80, s11;
	p1 =	por !p1, p0  }
0x19: {  	s18 =	sadd.s32 $0x40, s13;
	s16 =	simm.s32 @!p1 $0x0;
	p1 =	sgt.s32 s19, $0x2FF  }
0x1a: {  	s21 =	smov.u32 s14;
	s20 =	smov.u32 @p1 s18  }
0x1b: {  	s16 =	smul.u32 @!p0 s16, s17;
	s17 =	sadd.s32 $0x40, s14;
	p2 =	sgt.s32 s20, $0x400  }
0x1c: {  	s22 =	simm.s32 @!p0 $0x2;
	s21 =	smov.u32 @p2 s17  }
0x1d: {  	s19 =	simm.s32 @p1 $0x0;
	s18 =	smov.u32 s10;
	p1 =	sgt.s32 s21, $0x3F  }
0x1e: {  	s10 =	smov.u32 s13;
	s21 =	simm.s32 @p1 $0x0;
	p1 =	sne.s32 s15, s7  }
.Ltmp1:
0x1f: {  	s16 =	sand.u32 @!p0 $0x3FFFFFFF, s16;
	s20 =	smov.u32 @p2 s3;
	(pc) =	sbr.rel @!p1 .LBB1_8-.Ltmp1, $4  }
0x20: {  	s17 =	smov.u32 s12;
	s12 =	smov.u32 s14;
	_ =	swait.ge @!p0 [sflag:s22], s16  }
0x21: {  	s23 =	ssub.s32 @!p0 $0x0, s16;
	s16 =	smov.u32 s9;
	s9 =	smov.u32 s11  }
0x22: {  	s11 =	smov.u32 s19;
	s13 =	smov.u32 s20;
	[sflag:s22] =	ssyncset.done @!p0 $0x0  }
0x23: {  	s15 =	sadd.s32 $0x1, s15;
	[sflag:s22] =	ssyncadd.s32 @!p0 s23;
	s14 =	smov.u32 s21  }
.LBB1_1:
0x24: {  	p0 =	sge.u32 s15, s6  }
0x25: {  	s19 =	sshrl.u32 @!p0 s13, $0x3  }
0x26: {  	s20 =	sshll.u32 @!p0 s11, $0x3;
	s19 =	smul.u32 @!p0 $0x1800, s19  }
0x27: {  	s21 =	sshll.u32 @!p0 s13, $0x7;
	s20 =	sand.u32 @!p0 $0xFFFFFC00, s20  }
0x28: {  	s19 =	sadd.s32 @!p0 s19, s20;
	s20 =	sand.u32 @!p0 $0x380, s21  }
0x29: {  	s19 =	sor.u32 @!p0 s20, s19  }
0x2a: {  	s20 =	smulhi.u32 @!p0 $0xAAAAAAAB, s19;
	_ =	sdelay $0x1  }
0x2b: {  	s21 =	sand.u32 @!p0 $0x7F, s11;
	s20 =	sshrl.u32 @!p0 s20, $0x9  }
0x2c: {  	s19 =	sor.u32 @!p0 s21, s19;
	s21 =	smulhi.u32 @!p0 $0x7F01FD, s20  }
0x2d: {  	s22 =	smulhi.u32 @!p0 $0xAAAAAAAB, s19  }
0x2e: {  	s21 =	sshrl.u32 @!p0 s21, $0x1  }
0x2f: {  	s22 =	sshrl.u32 @!p0 s22, $0x9;
	s21 =	smul.u32 @!p0 $0x408, s21  }
0x30: {  	s22 =	smul.u32 @!p0 $0x300, s22  }
0x31: {  	s23 =	sxor.u32 @!p0 $0xFFFFFFFF, s15;
	s20 =	ssub.s32 @!p0 s20, s21;
	s21 =	smul.u32 @!p0 $0x18300, s14  }
0x32: {  	s23 =	sshll.u32 @!p0 s23, $0xE;
	s19 =	ssub.s32 @!p0 s19, s22;
	s20 =	smul.u32 @!p0 $0x60, s20  }
0x33: {  	s22 =	sand.u32 @!p0 $0x4000, s23;
	s23 =	sand.u32 @!p0 $0x7, s19;
	s21 =	sadd.s32 @!p0 s5, s21  }
0x34: {  	s19 =	sshrl.u32 @!p0 s19, $0x3;
	s20 =	sadd.s32 @!p0 s20, s21;
	s21 =	sshll.u32 @!p0 s23, $0x12  }
0x35: {  	s19 =	sadd.s32 @!p0 s19, s20;
	s20 =	sor.u32 @!p0 $0x100, s21;
	s21 =	simm.s32 @!p0 $0xC1800  }
0x36: {  	[tilespmem:s22], [sflag:$0x1] =	stream.strided.gather @!p0 [hbm4b:s19+s20], $0x4000, s21, s20, $0x38;
	[tilespmem:$0x10000] =	vst v63  }
0x37: {  	p0 =	seq.s32 s15, $0x0  }
0x38: {  	p1 =	sge.u32 @!p0 s15, s7  }
0x39: {  	p0 =	por p0, p1  }
.Ltmp2:
0x3a: {  	_ = 	snop;
	(pc) =	sbr.rel @p0 .LBB1_7-.Ltmp2, $1  }
0x3b: {  	_ =	sdelay $0x3  }
0x3c: {  	_ =	swait.ge [sflag:s4], $0x4000;
	s19 =	sshll.u32 s15, $0xE  }
0x3d: {  	[sflag:s4] =	ssyncset.done $0x0;
	s20 =	sand.u32 $0x4000, s19  }
0x3e: {  	s21 =	simm.s32 $0x0;
	[sflag:s4] =	ssyncadd.s32 $0xFFFFC000;
	s19 =	sor.u32 $0x8000, s20  }
.LBB1_3:
0x3f: {  	s22 =	sshll.u32 s21, $0x8  }
0x40: {  	s22 =	sand.u32 $0x3FFFFF00, s22  }
0x41: {  	s23 =	sshll.u32 s21, $0x7;
	s22 =	sadd.s32 s22, s20  }
0x42: {  	s23 =	sand.u32 $0x3FFFFF80, s23;
	v0 =	vmov s22  }
0x43: {  	s23 =	sadd.s32 s23, s19  }
0x44: {  	p0 =	por $0x1, $0x1;
	v1 =	vmov s23;
	s22 =	simm.s32 $0x0  }
.LBB1_4:
0x45: {  	s23 =	sshll.u32 s22, $0x7  }
0x46: {  	s23 =	sand.u32 $0x3FFFFF80, s23  }
0x47: {  	v2 =	vld.idx.msk [tilespmem:v0+s23+$0x0 ss:$0x1], $0xffff  }
0x48: {  	v3 =	vld.idx.msk [tilespmem:v0+s23+$0x10 ss:$0x1], $0xffff  }
0x49: {  	v4 =	vld.idx.msk [tilespmem:v0+s23+$0x20 ss:$0x1], $0xffff  }
0x4a: {  	s31 =	sshll.u32 s22, $0xD;
	v5 =	vld.idx.msk [tilespmem:v0+s23+$0x30 ss:$0x1], $0xffff  }
0x4b: {  	s22 =	sand.u32 $0x3FFFE000, s31;
	v6 =	vld.idx.msk [tilespmem:v0+s23+$0x40 ss:$0x1], $0xffff  }
0x4c: {  	v63 =	vld.idx.msk [tilespmem:v0+s23+$0x70 ss:$0x1], $0xffff;
	[tilespmem:v1+s22+$0x0 ss:$0x1] =	vst.idx.msk $0xffff, v2  }
0x4d: {  	v2 =	vld.idx.msk [tilespmem:v0+s23+$0x50 ss:$0x1], $0xffff;
	[tilespmem:v1+s22+$0x10 ss:$0x1] =	vst.idx.msk $0xffff, v3  }
0x4e: {  	p1 =	por p0, p0;
	v3 =	vld.idx.msk [tilespmem:v0+s23+$0x60 ss:$0x1], $0xffff;
	[tilespmem:v1+s22+$0x20 ss:$0x1] =	vst.idx.msk $0xffff, v4  }
.Ltmp3:
0x4f: {  	[tilespmem:v1+s22+$0x30 ss:$0x1] =	vst.idx.msk $0xffff, v5;
	(pc) =	sbr.rel @p1 .LBB1_4-.Ltmp3, $4  }
0x50: {  	[tilespmem:v1+s22+$0x40 ss:$0x1] =	vst.idx.msk $0xffff, v6  }
0x51: {  	[tilespmem:v1+s22+$0x70 ss:$0x1] =	vst.idx.msk $0xffff, v63  }
0x52: {  	[tilespmem:v1+s22+$0x50 ss:$0x1] =	vst.idx.msk $0xffff, v2  }
0x53: {  	p0 =	por $0x0, $0x0;
	[tilespmem:v1+s22+$0x60 ss:$0x1] =	vst.idx.msk $0xffff, v3;
	s22 =	simm.s32 $0x1  }
0x54: {  	s21 =	sadd.s32 $0x1, s21  }
0x55: {  	p0 =	sne.s32 s21, $0x40  }
.Ltmp4:
0x56: {  	_ = 	snop;
	(pc) =	sbr.rel @p0 .LBB1_3-.Ltmp4, $1  }
0x57: {  	_ =	sdelay $0x3  }
0x58: {  	s20 =	sshrl.u32 s12, $0x3  }
0x59: {  	s21 =	sshll.u32 s9, $0x3;
	s22 =	sshll.u32 s12, $0x7;
	s23 =	sand.u32 $0x7F, s9  }
0x5a: {  	p0 =	sgt.s32 s10, $0x3FF;
	s25 =	sshra.s32 s10, $0x1F;
	s29 =	smul.u32 $0x1800, s10  }
0x5b: {  	s26 =	sshra.s32 s9, $0x1F;
	s27 =	ssub.s32 $0x0, s12;
	s20 =	smul.u32 $0x1800, s20  }
0x5c: {  	s21 =	sand.u32 $0xFFFFFC00, s21;
	s24 =	sand.u32 $0x380, s22;
	s22 =	sand.u32 s25, s10  }
0x5d: {  	s25 =	smov.u32 s9;
	s20 =	sadd.s32 s20, s21;
	s21 =	smov.u32 s10  }
0x5e: {  	s26 =	sand.u32 s26, s9;
	s20 =	sor.u32 s24, s20;
	s21 =	simm.s32 @!p0 $0x3FF  }
0x5f: {  	p0 =	sgt.s32 s9, $0x280;
	s23 =	sor.u32 s23, s20;
	s21 =	ssub.s32 s21, s22  }
0x60: {  	s25 =	simm.s32 @!p0 $0x280;
	s20 =	smulhi.u32 $0xAAAAAAAB, s20;
	s22 =	sadd.s32 $0xFFFFFC01, s21  }
0x61: {  	s24 =	smulhi.u32 $0xAAAAAAAB, s23;
	s21 =	ssub.s32 $0x401, s21;
	p1 =	sgt.s32 s22, $0x1  }
0x62: {  	s22 =	ssub.s32 s25, s26;
	s25 =	smin.u32 s12, s27;
	s20 =	sshrl.u32 s20, $0x9  }
0x63: {  	s24 =	sshrl.u32 s24, $0x9;
	s21 =	simm.s32 @p1 $0x0;
	p0 =	sgt.s32 s25, $0x3F  }
0x64: {  	s25 =	ssub.s32 $0x40, s25;
	s20 =	sand.u32 $0x3F, s20;
	s24 =	smul.u32 $0x300, s24  }
0x65: {  	s28 =	sadd.s32 $0xFFFFFD80, s22;
	s25 =	simm.s32 @p0 $0x0;
	s20 =	smul.u32 $0x60, s20  }
0x66: {  	s22 =	ssub.s32 $0x300, s22;
	p0 =	sgt.s32 s28, $0x7F;
	s21 =	smul.u32 s25, s21  }
.Ltmp5:
0x67: {  	s22 =	simm.s32 @p0 $0x0;
	s23 =	ssub.s32 s23, s24;
	(pc) =	sbr.rel .LBB1_7-.Ltmp5, $4  }
0x68: {  	s30 =	sadd.s32 s2, s29;
	s21 =	smul.u32 s22, s21;
	s24 =	sand.u32 $0x7, s23  }
0x69: {  	s20 =	sadd.s32 s20, s30;
	s23 =	sshrl.u32 s23, $0x3;
	s31 =	sshll.u32 s24, $0x12  }
0x6a: {  	s20 =	sadd.s32 s23, s20;
	s21 =	sand.u32 $0x3FFFFFFF, s21;
	s22 =	sor.u32 $0x400, s31  }
0x6b: {  	[hbm4b:s20+s22] =	stream.strided.scatter [tilespmem:s19], [sflag:$0x2], s21, s8, s22, $0x38;
	[tilespmem:$0x10000] =	vst v63  }
.LBB1_8:
0x6c: {  	_ =	sfence.sel $0x180000  }
0x6d: {  	s2 =	simm.s32 $0x1;
	[bflag:$0x0] =	sbarrier.arrive $0xFFFF  }
0x6e: {  	s31 =	simm.s32 $0x2;
	[sflag:s2] =	ssyncpa.u1 $0x1  }
0x6f: {  	[sflag:s31] =	ssyncpa.u1 $0x1  }
0x70: {  	p0 =	sne.s32 s0, $0x0;
	_ =	strace $0x9000004A  }
0x71: {  	s0 =	sadd.s32 @!p0 $0x100000, s1;
	[bflag:$0x2] =	sbarrier.arrive $0xFFFF  }
0x72: {  	[sflag:s0] =	ssyncadd.tile.s32 @!p0 $0x1;
	_ =	shalt  }
.Lfunc_end1:
_tile_overlayer_lowered:
.L_overlay_start_2:
0x73: {  	(tag) =	ssettag $0x2  }
0x74: {  	s0 =	rddreg [dreg:$0x0];
	s2 =	stileid.u32  }
0x75: {  	s1 =	rddreg [dreg:$0x1];
	p0 =	sne.s32 s2, $0x0  }
0x76: {  	s3 =	rddreg [dreg:$0x2];
	[bflag:$0x3] =	sbarrier.arrive $0xFFFF;
	s2 =	simm.s32 @!p0 $0x1C01  }
0x77: {  	[timem:s3], [sflag:s2] =	dma.local @!p0 [hbm:s0], s1  }
0x78: {  	s0 =	simm.s32 @!p0 $0x1  }
0x79: {  	_ =	swait.ge @!p0 [sflag:s0], s1  }
0x7a: {  	s1 =	ssub.s32 @!p0 $0x0, s1;
	[sflag:s0] =	ssyncset.done @!p0 $0x0  }
0x7b: {  	[sflag:s0] =	ssyncadd.s32 @!p0 s1  }
0x7c: {  	[bflag:$0x3] =	sbarrier.arrive $0xFFFF  }
0x7d: {  	_ =	shalt  }

</sc_bundles>
